<compile_context>
chip_gen: v7x
topology: tpu7x:2x2x1
jax: 0.10.2.dev20260603
libtpu: 0.0.44.dev20260713+nightly
codegen_flags: <defaults>
</compile_context>

<pallas_src>
import functools
import jax
import jax.numpy as jnp
from jax import lax
from jax.experimental import pallas as pl
from jax.experimental.pallas import tpu as pltpu
from jax.experimental.pallas import tpu_sc as plsc

B = 128
T = 1024
D = 128
VOCAB = 16
N_SEG = 8
MASK_ID = 5
N = B * T


R = 8192
RB = R // 128
NBLK = N // R


def _tc_block(tok_ref, msk_ref, seg_ref, tok_tab_ref, seg_tab_ref,
              tok_seg_ref, maskpos_ref):
    tok = tok_ref[...]
    seg = seg_ref[...]
    msk = msk_ref[...]

    tokp = (tok * N_SEG + seg).astype(jnp.float32)

    row_id = jax.lax.broadcasted_iota(jnp.int32, (R, RB), 0)
    grp_id = jax.lax.broadcasted_iota(jnp.int32, (R, RB), 1)
    E = (row_id // 128 == grp_id).astype(jnp.float32)
    rr = jax.lax.broadcasted_iota(jnp.int32, (R, 128), 0)
    cc = jax.lax.broadcasted_iota(jnp.int32, (R, 128), 1)
    Dm = (rr % 128 == cc).astype(jnp.float32)
    ones = jnp.ones((128, 1), jnp.float32)

    t1 = jnp.dot(E, tokp, preferred_element_type=jnp.float32)
    ftok = jnp.dot(t1 * Dm, ones, preferred_element_type=jnp.float32)

    ts = jax.lax.broadcasted_iota(jnp.int32, (VOCAB * N_SEG, VOCAB), 0)
    tv = jax.lax.broadcasted_iota(jnp.int32, (VOCAB * N_SEG, VOCAB), 1)
    E16 = ((ts // N_SEG == tv) & (ts // N_SEG != 0)).astype(jnp.float32)
    ss = jax.lax.broadcasted_iota(jnp.int32, (VOCAB * N_SEG, N_SEG), 0)
    sv = jax.lax.broadcasted_iota(jnp.int32, (VOCAB * N_SEG, N_SEG), 1)
    E8 = ((ss % N_SEG == sv) & (ss % N_SEG != 0)).astype(jnp.float32)
    combo_tok = jnp.dot(E16, tok_tab_ref[...], preferred_element_type=jnp.float32)
    combo_seg = jnp.dot(E8, seg_tab_ref[...], preferred_element_type=jnp.float32)

    iota128 = jax.lax.broadcasted_iota(jnp.int32, (R, VOCAB * N_SEG), 1)
    oh_tok = (ftok.astype(jnp.int32) == iota128).astype(jnp.float32)

    tok_seg_ref[:, :D] = jnp.dot(oh_tok, combo_tok, preferred_element_type=jnp.float32)
    tok_seg_ref[:, D:] = jnp.dot(oh_tok, combo_seg, preferred_element_type=jnp.float32)
    maskpos_ref[...] = (msk == MASK_ID).astype(jnp.int32)


def _tc_call(tok2, msk2, seg2, token_table, seg_table):
    out_shapes = (
        jax.ShapeDtypeStruct((N, 2 * D), jnp.float32),
        jax.ShapeDtypeStruct((N // 128, 128), jnp.int32),
    )
    ids_spec = pl.BlockSpec((RB, 128), lambda i: (i, 0))
    tab16_spec = pl.BlockSpec((VOCAB, D), lambda i: (0, 0))
    tab8_spec = pl.BlockSpec((N_SEG, D), lambda i: (0, 0))
    out_spec = pl.BlockSpec((R, 2 * D), lambda i: (i, 0))
    maskpos_spec = pl.BlockSpec((RB, 128), lambda i: (i, 0))
    return pl.pallas_call(
        _tc_block,
        grid=(NBLK,),
        in_specs=[ids_spec, ids_spec, ids_spec, tab16_spec, tab8_spec],
        out_specs=[out_spec, maskpos_spec],
        out_shape=out_shapes,
    )(tok2, msk2, seg2, token_table, seg_table)



NC = 2
NS = 16
NW = NC * NS
PER_W = N // NW
CHUNK = 64
NCHUNK = PER_W // CHUNK
NBUF = 4


def _sc_body(msk_hbm, seg_hbm, ctab_msk, out_msk,
             msk_v, seg_v, idx2, buf1, buf2, buf3, buf4, gsem, wsem):
    wid = lax.axis_index("s") * NC + lax.axis_index("c")
    w_base = wid * PER_W

    pltpu.sync_copy(msk_hbm.at[pl.ds(w_base, PER_W)], msk_v)
    pltpu.sync_copy(seg_hbm.at[pl.ds(w_base, PER_W)], seg_v)

    def idx_body(r, _):
        for k in range(CHUNK // 16):
            sl = pl.ds(r * CHUNK + k * 16, 16)
            idx2[r, pl.ds(k * 16, 16)] = msk_v[sl] * N_SEG + seg_v[sl]
        return ()

    lax.fori_loop(0, NCHUNK, idx_body, ())

    bufs = (buf1, buf2, buf3, buf4)
    pltpu.async_copy(ctab_msk.at[idx2.at[0]], bufs[0], gsem)
    pltpu.async_copy(ctab_msk.at[idx2.at[1]], bufs[1], gsem)

    def chunk_body(io, _):
        for b in range(NBUF):
            i = io * NBUF + b
            buf = bufs[b]
            nxt = bufs[(b + 2) % NBUF]
            pltpu.make_async_copy(ctab_msk.at[idx2.at[0]], buf, gsem).wait()

            @pl.when(i >= 2)
            def _():
                pltpu.make_async_copy(nxt, out_msk.at[pl.ds(w_base, CHUNK)], wsem).wait()

            @pl.when(i + 2 < NCHUNK)
            def _():
                pltpu.async_copy(ctab_msk.at[idx2.at[i + 2]], nxt, gsem)

            pltpu.async_copy(buf, out_msk.at[pl.ds(w_base + i * CHUNK, CHUNK)], wsem)
        return ()

    lax.fori_loop(0, NCHUNK // NBUF, chunk_body, ())
    pltpu.make_async_copy(bufs[2], out_msk.at[pl.ds(w_base, CHUNK)], wsem).wait()
    pltpu.make_async_copy(bufs[3], out_msk.at[pl.ds(w_base, CHUNK)], wsem).wait()


_mesh = plsc.VectorSubcoreMesh(core_axis_name="c", subcore_axis_name="s")

_sc_call = functools.partial(
    pl.kernel,
    mesh=_mesh,
    out_type=[
        jax.ShapeDtypeStruct((N, 2 * D), jnp.float32),
    ],
    scratch_types=[
        pltpu.VMEM((PER_W,), jnp.int32),
        pltpu.VMEM((PER_W,), jnp.int32),
        pltpu.VMEM((NCHUNK, CHUNK), jnp.int32),
        pltpu.VMEM((CHUNK, 2 * D), jnp.float32),
        pltpu.VMEM((CHUNK, 2 * D), jnp.float32),
        pltpu.VMEM((CHUNK, 2 * D), jnp.float32),
        pltpu.VMEM((CHUNK, 2 * D), jnp.float32),
        pltpu.SemaphoreType.DMA,
        pltpu.SemaphoreType.DMA,
    ],
)(_sc_body)


def kernel(token_table, mask_table, seg_table, region_tokens, region_tokens_mask, segment_ids, region_structures):
    tmask = (jnp.arange(VOCAB) != 0).astype(jnp.float32)[:, None]
    smask = (jnp.arange(N_SEG) != 0).astype(jnp.float32)[:, None]
    msk_rep = jnp.repeat(mask_table * tmask, N_SEG, axis=0)
    seg_rep = jnp.tile(seg_table * smask, (VOCAB, 1))
    ctab_msk = jnp.concatenate([msk_rep, seg_rep], axis=1)

    mskf = region_tokens_mask.reshape(N)
    segf = segment_ids.reshape(N)
    (msk_seg,) = _sc_call(mskf, segf, ctab_msk)

    tok2 = region_tokens.reshape(N // 128, 128)
    msk2 = region_tokens_mask.reshape(N // 128, 128)
    seg2 = segment_ids.reshape(N // 128, 128)
    tok_seg, maskpos = _tc_call(tok2, msk2, seg2, token_table, seg_table)

    tok_seg = tok_seg.reshape(B, T, 2 * D)
    msk_seg = msk_seg.reshape(B, T, 2 * D)
    mask_positions = maskpos.reshape(B, T).astype(jnp.bool_)
    return (tok_seg, msk_seg, region_tokens, region_structures, region_tokens_mask, mask_positions)

# --- scband reference (transcript-rebuilt; emitter-appended) ---
"""Pipeline reference for scband-rnatransformer-embedding-48043504173233 (READ-ONLY COPY).

The authoritative reference and input builder live on the scoring server;
editing this copy changes nothing except your own understanding.
"""

import jax, jax.numpy as jnp
import numpy as np

VOCAB = 16
D_MODEL = 128
N_SEG = 8
MASK_ID = 5
B = 128
T = 1024

def setup_inputs(seed: int = 0) -> dict:
    key = jax.random.key(seed)
    k1, k2, k3, k4, k5, k6, k7 = jax.random.split(key, 7)
    token_table = jax.random.normal(k1, (VOCAB, D_MODEL), dtype=jnp.float32)
    token_table = token_table.at[0].set(0.0)  # padding_idx=0
    mask_table = jax.random.normal(k2, (VOCAB, D_MODEL), dtype=jnp.float32)
    mask_table = mask_table.at[0].set(0.0)  # padding_idx=0
    seg_table = jax.random.normal(k3, (N_SEG, D_MODEL), dtype=jnp.float32)
    region_tokens = jax.random.randint(k4, (B, T), 0, VOCAB, dtype=jnp.int64) if jax.config.jax_enable_x64 else jax.random.randint(k4, (B, T), 0, VOCAB).astype(jnp.int32)
    region_tokens_mask = jax.random.randint(k5, (B, T), 0, VOCAB).astype(region_tokens.dtype)
    segment_ids = jax.random.randint(k6, (B, T), 0, N_SEG).astype(region_tokens.dtype)
    region_structures = jax.random.randint(k7, (B, T), 0, VOCAB).astype(region_tokens.dtype)
    return {
        "token_table": token_table,
        "mask_table": mask_table,
        "seg_table": seg_table,
        "region_tokens": region_tokens,
        "region_tokens_mask": region_tokens_mask,
        "segment_ids": segment_ids,
        "region_structures": region_structures,
    }


def reference(token_table, mask_table, seg_table, region_tokens, region_tokens_mask, segment_ids, region_structures):
    # Single-region equivalent of the dict-of-regions forward (regions concatenated along T).
    tok_emb = jnp.take(token_table, region_tokens, axis=0)
    tok_emb = tok_emb * (region_tokens != 0)[..., None].astype(tok_emb.dtype)  # padding_idx=0
    msk_emb = jnp.take(mask_table, region_tokens_mask, axis=0)
    msk_emb = msk_emb * (region_tokens_mask != 0)[..., None].astype(msk_emb.dtype)  # padding_idx=0
    segs_clamped = jnp.clip(segment_ids, 0, None)
    seg_emb = jnp.take(seg_table, segs_clamped, axis=0)
    seg_emb = seg_emb * (segment_ids != 0)[..., None].astype(seg_emb.dtype)  # masked_fill(segs==0, 0)
    tok_seg = jnp.concatenate([tok_emb, seg_emb], axis=-1)
    msk_seg = jnp.concatenate([msk_emb, seg_emb], axis=-1)
    flat_tokens = region_tokens
    flat_structures = region_structures
    flat_msk_tokens = region_tokens_mask
    # ragged python list of mask indices replaced with a dense boolean mask [B, T]
    mask_positions = (flat_msk_tokens == MASK_ID)
    return (tok_seg, msk_seg, flat_tokens, flat_structures, flat_msk_tokens, mask_positions)

if __name__ == "__main__":
    import jax
    _d = setup_inputs()
    print(jax.jit(kernel)(*tuple(_d.values())))

</pallas_src>

<mosaic_0001>
#map = affine_map<(d0, d1) -> (0)>
#map1 = affine_map<(d0, d1) -> (0, 0)>
module attributes {stable_mosaic.version = 14 : i64} {
  func.func @_sc_body(%arg0: i32, %arg1: i32, %arg2: memref<131072xi32, #tpu.memory_space<hbm>>, %arg3: memref<131072xi32, #tpu.memory_space<hbm>>, %arg4: memref<128x256xf32, #tpu.memory_space<hbm>>, %arg5: memref<131072x256xf32, #tpu.memory_space<hbm>>, %arg6: memref<4096xi32, #tpu.memory_space<vmem>>, %arg7: memref<4096xi32, #tpu.memory_space<vmem>>, %arg8: memref<64x64xi32, #tpu.memory_space<vmem>>, %arg9: memref<64x256xf32, #tpu.memory_space<vmem>>, %arg10: memref<64x256xf32, #tpu.memory_space<vmem>>, %arg11: memref<64x256xf32, #tpu.memory_space<vmem>>, %arg12: memref<64x256xf32, #tpu.memory_space<vmem>>, %arg13: memref<!tpu.dma_semaphore, #tpu.memory_space<semaphore_mem>>, %arg14: memref<!tpu.dma_semaphore, #tpu.memory_space<semaphore_mem>>) attributes {dimension_semantics = [#tpu.dimension_semantics<core_parallel>, #tpu.dimension_semantics<subcore_parallel>], iteration_bounds = array<i64: 2, 16>, scalar_prefetch = 0 : i64, scratch_operands = 9 : i64, tpu.core_type = #tpu.core_type<sc_vector_subcore>, window_params = [{transform_indices = #map}, {transform_indices = #map}, {transform_indices = #map1}, {transform_indices = #map1}]} {
    %mul3A = arith.constant 2 : i32
    %mul3A_0 = arith.muli %arg1, %mul3A : i32
    %add3A = arith.addi %mul3A_0, %arg0 : i32
    %mul3A_1 = arith.constant 4096 : i32
    %mul3A_2 = arith.muli %add3A, %mul3A_1 : i32
    "tpu.region"() ({
      %run_scoped3A = tpu.sem_alloc : memref<!tpu.dma_semaphore, #tpu.memory_space<semaphore_mem>>
      %dma_start3A_32 = tpu.memref_slice %arg2[%mul3A_2] : memref<131072xi32, #tpu.memory_space<hbm>> -> memref<4096xi32, #tpu.memory_space<hbm>>
      %dma_start3A_33 = tpu.memref_slice %arg2[%mul3A_2] : memref<131072xi32, #tpu.memory_space<hbm>> -> memref<4096xi32, #tpu.memory_space<hbm>>
      tpu.enqueue_dma source(%dma_start3A_33 : memref<4096xi32, #tpu.memory_space<hbm>>) target(%arg6 : memref<4096xi32, #tpu.memory_space<vmem>>) target_semaphore(%run_scoped3A : memref<!tpu.dma_semaphore, #tpu.memory_space<semaphore_mem>>)
      %dma_wait3A_34 = tpu.memref_slice %arg2[%mul3A_2] : memref<131072xi32, #tpu.memory_space<hbm>> -> memref<4096xi32, #tpu.memory_space<hbm>>
      %dma_wait3A_35 = tpu.memref_slice %arg2[%mul3A_2] : memref<131072xi32, #tpu.memory_space<hbm>> -> memref<4096xi32, #tpu.memory_space<hbm>>
      tpu.wait_dma2 semaphore(%run_scoped3A : memref<!tpu.dma_semaphore, #tpu.memory_space<semaphore_mem>>) src(%dma_wait3A_35 : memref<4096xi32, #tpu.memory_space<hbm>>) dst(%arg6 : memref<4096xi32, #tpu.memory_space<vmem>>)
      tpu.yield
    }) : () -> ()
    "tpu.region"() ({
      %run_scoped3A = tpu.sem_alloc : memref<!tpu.dma_semaphore, #tpu.memory_space<semaphore_mem>>
      %dma_start3A_32 = tpu.memref_slice %arg3[%mul3A_2] : memref<131072xi32, #tpu.memory_space<hbm>> -> memref<4096xi32, #tpu.memory_space<hbm>>
      %dma_start3A_33 = tpu.memref_slice %arg3[%mul3A_2] : memref<131072xi32, #tpu.memory_space<hbm>> -> memref<4096xi32, #tpu.memory_space<hbm>>
      tpu.enqueue_dma source(%dma_start3A_33 : memref<4096xi32, #tpu.memory_space<hbm>>) target(%arg7 : memref<4096xi32, #tpu.memory_space<vmem>>) target_semaphore(%run_scoped3A : memref<!tpu.dma_semaphore, #tpu.memory_space<semaphore_mem>>)
      %dma_wait3A_34 = tpu.memref_slice %arg3[%mul3A_2] : memref<131072xi32, #tpu.memory_space<hbm>> -> memref<4096xi32, #tpu.memory_space<hbm>>
      %dma_wait3A_35 = tpu.memref_slice %arg3[%mul3A_2] : memref<131072xi32, #tpu.memory_space<hbm>> -> memref<4096xi32, #tpu.memory_space<hbm>>
      tpu.wait_dma2 semaphore(%run_scoped3A : memref<!tpu.dma_semaphore, #tpu.memory_space<semaphore_mem>>) src(%dma_wait3A_35 : memref<4096xi32, #tpu.memory_space<hbm>>) dst(%arg7 : memref<4096xi32, #tpu.memory_space<vmem>>)
      tpu.yield
    }) : () -> ()
    %scan3A = arith.constant 0 : i32
    %scan3A_3 = arith.constant 64 : i32
    %scan3A_4 = arith.addi %scan3A, %scan3A_3 : i32
    %scan3A_5 = arith.constant 1 : i32
    scf.for %scan3A_32 = %scan3A to %scan3A_4 step %scan3A_5  : i32 {
      %mul3A_33 = arith.constant 64 : i32
      %mul3A_34 = arith.muli %scan3A_32, %mul3A_33 : i32
      %add3A_35 = arith.constant 0 : i32
      %add3A_36 = arith.addi %mul3A_34, %add3A_35 : i32
      %get3A = arith.index_cast %add3A_36 : i32 to index
      %get3A_37 = tpu.vector_load %arg6[%get3A] {strides = array<i32>} : memref<4096xi32, #tpu.memory_space<vmem>>, vector<16xi32>,
      %get3A_38 = vector.shape_cast %get3A_37 : vector<16xi32> to vector<16xi32>
      %mul3A_39 = arith.constant 8 : i32
      %mul3A_40 = vector.broadcast %mul3A_39 : i32 to vector<16xi32>
      %mul3A_41 = arith.muli %get3A_38, %mul3A_40 : vector<16xi32>
      %get3A_42 = arith.index_cast %add3A_36 : i32 to index
      %get3A_43 = tpu.vector_load %arg7[%get3A_42] {strides = array<i32>} : memref<4096xi32, #tpu.memory_space<vmem>>, vector<16xi32>,
      %get3A_44 = vector.shape_cast %get3A_43 : vector<16xi32> to vector<16xi32>
      %add3A_45 = arith.addi %mul3A_41, %get3A_44 : vector<16xi32>
      %swap3A = arith.index_cast %scan3A_32 : i32 to index
      %swap3A_46 = arith.constant 0 : index
      %swap3A_47 = tpu.vector_load %arg8[%swap3A, %swap3A_46] {strides = array<i32>} : memref<64x64xi32, #tpu.memory_space<vmem>>, vector<1x16xi32>,
      %swap3A_48 = vector.shape_cast %swap3A_47 : vector<1x16xi32> to vector<16xi32>
      %swap3A_49 = vector.shape_cast %add3A_45 : vector<16xi32> to vector<1x16xi32>
      tpu.vector_store %arg8[%swap3A, %swap3A_46], %swap3A_49 {strides = array<i32>} : memref<64x64xi32, #tpu.memory_space<vmem>>, vector<1x16xi32>,
      %mul3A_50 = arith.constant 64 : i32
      %mul3A_51 = arith.muli %scan3A_32, %mul3A_50 : i32
      %add3A_52 = arith.constant 16 : i32
      %add3A_53 = arith.addi %mul3A_51, %add3A_52 : i32
      %get3A_54 = arith.index_cast %add3A_53 : i32 to index
      %get3A_55 = tpu.vector_load %arg6[%get3A_54] {strides = array<i32>} : memref<4096xi32, #tpu.memory_space<vmem>>, vector<16xi32>,
      %get3A_56 = vector.shape_cast %get3A_55 : vector<16xi32> to vector<16xi32>
      %mul3A_57 = arith.constant 8 : i32
      %mul3A_58 = vector.broadcast %mul3A_57 : i32 to vector<16xi32>
      %mul3A_59 = arith.muli %get3A_56, %mul3A_58 : vector<16xi32>
      %get3A_60 = arith.index_cast %add3A_53 : i32 to index
      %get3A_61 = tpu.vector_load %arg7[%get3A_60] {strides = array<i32>} : memref<4096xi32, #tpu.memory_space<vmem>>, vector<16xi32>,
      %get3A_62 = vector.shape_cast %get3A_61 : vector<16xi32> to vector<16xi32>
      %add3A_63 = arith.addi %mul3A_59, %get3A_62 : vector<16xi32>
      %swap3A_64 = arith.index_cast %scan3A_32 : i32 to index
      %swap3A_65 = arith.constant 16 : index
      %swap3A_66 = tpu.vector_load %arg8[%swap3A_64, %swap3A_65] {strides = array<i32>} : memref<64x64xi32, #tpu.memory_space<vmem>>, vector<1x16xi32>,
      %swap3A_67 = vector.shape_cast %swap3A_66 : vector<1x16xi32> to vector<16xi32>
      %swap3A_68 = vector.shape_cast %add3A_63 : vector<16xi32> to vector<1x16xi32>
      tpu.vector_store %arg8[%swap3A_64, %swap3A_65], %swap3A_68 {strides = array<i32>} : memref<64x64xi32, #tpu.memory_space<vmem>>, vector<1x16xi32>,
      %mul3A_69 = arith.constant 64 : i32
      %mul3A_70 = arith.muli %scan3A_32, %mul3A_69 : i32
      %add3A_71 = arith.constant 32 : i32
      %add3A_72 = arith.addi %mul3A_70, %add3A_71 : i32
      %get3A_73 = arith.index_cast %add3A_72 : i32 to index
      %get3A_74 = tpu.vector_load %arg6[%get3A_73] {strides = array<i32>} : memref<4096xi32, #tpu.memory_space<vmem>>, vector<16xi32>,
      %get3A_75 = vector.shape_cast %get3A_74 : vector<16xi32> to vector<16xi32>
      %mul3A_76 = arith.constant 8 : i32
      %mul3A_77 = vector.broadcast %mul3A_76 : i32 to vector<16xi32>
      %mul3A_78 = arith.muli %get3A_75, %mul3A_77 : vector<16xi32>
      %get3A_79 = arith.index_cast %add3A_72 : i32 to index
      %get3A_80 = tpu.vector_load %arg7[%get3A_79] {strides = array<i32>} : memref<4096xi32, #tpu.memory_space<vmem>>, vector<16xi32>,
      %get3A_81 = vector.shape_cast %get3A_80 : vector<16xi32> to vector<16xi32>
      %add3A_82 = arith.addi %mul3A_78, %get3A_81 : vector<16xi32>
      %swap3A_83 = arith.index_cast %scan3A_32 : i32 to index
      %swap3A_84 = arith.constant 32 : index
      %swap3A_85 = tpu.vector_load %arg8[%swap3A_83, %swap3A_84] {strides = array<i32>} : memref<64x64xi32, #tpu.memory_space<vmem>>, vector<1x16xi32>,
      %swap3A_86 = vector.shape_cast %swap3A_85 : vector<1x16xi32> to vector<16xi32>
      %swap3A_87 = vector.shape_cast %add3A_82 : vector<16xi32> to vector<1x16xi32>
      tpu.vector_store %arg8[%swap3A_83, %swap3A_84], %swap3A_87 {strides = array<i32>} : memref<64x64xi32, #tpu.memory_space<vmem>>, vector<1x16xi32>,
      %mul3A_88 = arith.constant 64 : i32
      %mul3A_89 = arith.muli %scan3A_32, %mul3A_88 : i32
      %add3A_90 = arith.constant 48 : i32
      %add3A_91 = arith.addi %mul3A_89, %add3A_90 : i32
      %get3A_92 = arith.index_cast %add3A_91 : i32 to index
      %get3A_93 = tpu.vector_load %arg6[%get3A_92] {strides = array<i32>} : memref<4096xi32, #tpu.memory_space<vmem>>, vector<16xi32>,
      %get3A_94 = vector.shape_cast %get3A_93 : vector<16xi32> to vector<16xi32>
      %mul3A_95 = arith.constant 8 : i32
      %mul3A_96 = vector.broadcast %mul3A_95 : i32 to vector<16xi32>
      %mul3A_97 = arith.muli %get3A_94, %mul3A_96 : vector<16xi32>
      %get3A_98 = arith.index_cast %add3A_91 : i32 to index
      %get3A_99 = tpu.vector_load %arg7[%get3A_98] {strides = array<i32>} : memref<4096xi32, #tpu.memory_space<vmem>>, vector<16xi32>,
      %get3A_100 = vector.shape_cast %get3A_99 : vector<16xi32> to vector<16xi32>
      %add3A_101 = arith.addi %mul3A_97, %get3A_100 : vector<16xi32>
      %swap3A_102 = arith.index_cast %scan3A_32 : i32 to index
      %swap3A_103 = arith.constant 48 : index
      %swap3A_104 = tpu.vector_load %arg8[%swap3A_102, %swap3A_103] {strides = array<i32>} : memref<64x64xi32, #tpu.memory_space<vmem>>, vector<1x16xi32>,
      %swap3A_105 = vector.shape_cast %swap3A_104 : vector<1x16xi32> to vector<16xi32>
      %swap3A_106 = vector.shape_cast %add3A_101 : vector<16xi32> to vector<1x16xi32>
      tpu.vector_store %arg8[%swap3A_102, %swap3A_103], %swap3A_106 {strides = array<i32>} : memref<64x64xi32, #tpu.memory_space<vmem>>, vector<1x16xi32>,
    }
    %scan3A_6 = arith.constant 64 : i32
    %dma_start3A = arith.constant 0 : i32
    %dma_start3A_7 = arith.constant 0 : i32
    %dma_start3A_8 = tpu.memref_slice %arg8[%dma_start3A, %dma_start3A_7] : memref<64x64xi32, #tpu.memory_space<vmem>> -> memref<1x64xi32, #tpu.memory_space<vmem>>
    %dma_start3A_9 = tpu.memref_squeeze %dma_start3A_8 : memref<1x64xi32, #tpu.memory_space<vmem>> -> memref<64xi32, #tpu.memory_space<vmem>>
    %dma_start3A_10 = arith.constant 0 : i32
    %dma_start3A_11 = arith.constant 0 : i32
    %dma_start3A_12 = tpu.memref_slice %arg4[%dma_start3A_10, %dma_start3A_11] : memref<128x256xf32, #tpu.memory_space<hbm>> -> memref<128x256xf32, #tpu.memory_space<hbm>>
    tpu.enqueue_indirect_dma source(%dma_start3A_12 : memref<128x256xf32, #tpu.memory_space<hbm>>) target(%arg9 : memref<64x256xf32, #tpu.memory_space<vmem>>) offsets(%dma_start3A_9 : memref<64xi32, #tpu.memory_space<vmem>>) semaphore(%arg13 : memref<!tpu.dma_semaphore, #tpu.memory_space<semaphore_mem>>)
    %dma_start3A_13 = arith.constant 1 : i32
    %dma_start3A_14 = arith.constant 0 : i32
    %dma_start3A_15 = tpu.memref_slice %arg8[%dma_start3A_13, %dma_start3A_14] : memref<64x64xi32, #tpu.memory_space<vmem>> -> memref<1x64xi32, #tpu.memory_space<vmem>>
    %dma_start3A_16 = tpu.memref_squeeze %dma_start3A_15 : memref<1x64xi32, #tpu.memory_space<vmem>> -> memref<64xi32, #tpu.memory_space<vmem>>
    %dma_start3A_17 = arith.constant 0 : i32
    %dma_start3A_18 = arith.constant 0 : i32
    %dma_start3A_19 = tpu.memref_slice %arg4[%dma_start3A_17, %dma_start3A_18] : memref<128x256xf32, #tpu.memory_space<hbm>> -> memref<128x256xf32, #tpu.memory_space<hbm>>
    tpu.enqueue_indirect_dma source(%dma_start3A_19 : memref<128x256xf32, #tpu.memory_space<hbm>>) target(%arg10 : memref<64x256xf32, #tpu.memory_space<vmem>>) offsets(%dma_start3A_16 : memref<64xi32, #tpu.memory_space<vmem>>) semaphore(%arg13 : memref<!tpu.dma_semaphore, #tpu.memory_space<semaphore_mem>>)
    %scan3A_20 = arith.constant 0 : i32
    %scan3A_21 = arith.constant 16 : i32
    %scan3A_22 = arith.addi %scan3A_20, %scan3A_21 : i32
    %scan3A_23 = arith.constant 1 : i32
    scf.for %scan3A_32 = %scan3A_20 to %scan3A_22 step %scan3A_23  : i32 {
      %mul3A_33 = arith.constant 4 : i32
      %mul3A_34 = arith.muli %scan3A_32, %mul3A_33 : i32
      %add3A_35 = arith.constant 0 : i32
      %add3A_36 = arith.addi %mul3A_34, %add3A_35 : i32
      %dma_wait3A_37 = arith.constant 0 : i32
      %dma_wait3A_38 = arith.constant 0 : i32
      %dma_wait3A_39 = tpu.memref_slice %arg8[%dma_wait3A_37, %dma_wait3A_38] : memref<64x64xi32, #tpu.memory_space<vmem>> -> memref<1x64xi32, #tpu.memory_space<vmem>>
      %dma_wait3A_40 = tpu.memref_squeeze %dma_wait3A_39 : memref<1x64xi32, #tpu.memory_space<vmem>> -> memref<64xi32, #tpu.memory_space<vmem>>
      %dma_wait3A_41 = arith.constant 0 : i32
      %dma_wait3A_42 = arith.constant 0 : i32
      %dma_wait3A_43 = tpu.memref_slice %arg4[%dma_wait3A_41, %dma_wait3A_42] : memref<128x256xf32, #tpu.memory_space<hbm>> -> memref<128x256xf32, #tpu.memory_space<hbm>>
      tpu.wait_indirect_dma semaphore(%arg13 : memref<!tpu.dma_semaphore, #tpu.memory_space<semaphore_mem>>) src(%dma_wait3A_43 : memref<128x256xf32, #tpu.memory_space<hbm>>) dst(%arg9 : memref<64x256xf32, #tpu.memory_space<vmem>>)
      %ge3A = arith.constant 2 : i32
      %ge3A_44 = arith.cmpi sge, %add3A_36, %ge3A : i32
      %convert_element_type3A = arith.extui %ge3A_44 : i1 to i32
      %cond3A = arith.constant 0 : i32
      %cond3A_45 = arith.cmpi ne, %convert_element_type3A, %cond3A : i32
      scf.if %cond3A_45 {
        %dma_wait3A_149 = arith.constant 0 : i32
        %dma_wait3A_150 = tpu.memref_slice %arg5[%mul3A_2, %dma_wait3A_149] : memref<131072x256xf32, #tpu.memory_space<hbm>> -> memref<64x256xf32, #tpu.memory_space<hbm>>
        %dma_wait3A_151 = arith.constant 0 : i32
        %dma_wait3A_152 = tpu.memref_slice %arg5[%mul3A_2, %dma_wait3A_151] : memref<131072x256xf32, #tpu.memory_space<hbm>> -> memref<64x256xf32, #tpu.memory_space<hbm>>
        tpu.wait_dma2 semaphore(%arg14 : memref<!tpu.dma_semaphore, #tpu.memory_space<semaphore_mem>>) src(%arg11 : memref<64x256xf32, #tpu.memory_space<vmem>>) dst(%dma_wait3A_152 : memref<64x256xf32, #tpu.memory_space<hbm>>)
      } else {
      }
      %add3A_46 = arith.constant 2 : i32
      %add3A_47 = arith.addi %add3A_36, %add3A_46 : i32
      %lt3A = arith.constant 64 : i32
      %lt3A_48 = arith.cmpi slt, %add3A_47, %lt3A : i32
      %convert_element_type3A_49 = arith.extui %lt3A_48 : i1 to i32
      %cond3A_50 = arith.constant 0 : i32
      %cond3A_51 = arith.cmpi ne, %convert_element_type3A_49, %cond3A_50 : i32
      scf.if %cond3A_51 {
        %add3A_149 = arith.constant 2 : i32
        %add3A_150 = arith.addi %add3A_36, %add3A_149 : i32
        %dma_start3A_151 = arith.constant 0 : i32
        %dma_start3A_152 = tpu.memref_slice %arg8[%add3A_150, %dma_start3A_151] : memref<64x64xi32, #tpu.memory_space<vmem>> -> memref<1x64xi32, #tpu.memory_space<vmem>>
        %dma_start3A_153 = tpu.memref_squeeze %dma_start3A_152 : memref<1x64xi32, #tpu.memory_space<vmem>> -> memref<64xi32, #tpu.memory_space<vmem>>
        %dma_start3A_154 = arith.constant 0 : i32
        %dma_start3A_155 = arith.constant 0 : i32
        %dma_start3A_156 = tpu.memref_slice %arg4[%dma_start3A_154, %dma_start3A_155] : memref<128x256xf32, #tpu.memory_space<hbm>> -> memref<128x256xf32, #tpu.memory_space<hbm>>
        tpu.enqueue_indirect_dma source(%dma_start3A_156 : memref<128x256xf32, #tpu.memory_space<hbm>>) target(%arg11 : memref<64x256xf32, #tpu.memory_space<vmem>>) offsets(%dma_start3A_153 : memref<64xi32, #tpu.memory_space<vmem>>) semaphore(%arg13 : memref<!tpu.dma_semaphore, #tpu.memory_space<semaphore_mem>>)
      } else {
      }
      %mul3A_52 = arith.constant 64 : i32
      %mul3A_53 = arith.muli %add3A_36, %mul3A_52 : i32
      %add3A_54 = arith.addi %mul3A_2, %mul3A_53 : i32
      %dma_start3A_55 = arith.constant 0 : i32
      %dma_start3A_56 = tpu.memref_slice %arg5[%add3A_54, %dma_start3A_55] : memref<131072x256xf32, #tpu.memory_space<hbm>> -> memref<64x256xf32, #tpu.memory_space<hbm>>
      %dma_start3A_57 = arith.constant 0 : i32
      %dma_start3A_58 = tpu.memref_slice %arg5[%add3A_54, %dma_start3A_57] : memref<131072x256xf32, #tpu.memory_space<hbm>> -> memref<64x256xf32, #tpu.memory_space<hbm>>
      tpu.enqueue_dma source(%arg9 : memref<64x256xf32, #tpu.memory_space<vmem>>) target(%dma_start3A_58 : memref<64x256xf32, #tpu.memory_space<hbm>>) target_semaphore(%arg14 : memref<!tpu.dma_semaphore, #tpu.memory_space<semaphore_mem>>)
      %mul3A_59 = arith.constant 4 : i32
      %mul3A_60 = arith.muli %scan3A_32, %mul3A_59 : i32
      %add3A_61 = arith.constant 1 : i32
      %add3A_62 = arith.addi %mul3A_60, %add3A_61 : i32
      %dma_wait3A_63 = arith.constant 0 : i32
      %dma_wait3A_64 = arith.constant 0 : i32
      %dma_wait3A_65 = tpu.memref_slice %arg8[%dma_wait3A_63, %dma_wait3A_64] : memref<64x64xi32, #tpu.memory_space<vmem>> -> memref<1x64xi32, #tpu.memory_space<vmem>>
      %dma_wait3A_66 = tpu.memref_squeeze %dma_wait3A_65 : memref<1x64xi32, #tpu.memory_space<vmem>> -> memref<64xi32, #tpu.memory_space<vmem>>
      %dma_wait3A_67 = arith.constant 0 : i32
      %dma_wait3A_68 = arith.constant 0 : i32
      %dma_wait3A_69 = tpu.memref_slice %arg4[%dma_wait3A_67, %dma_wait3A_68] : memref<128x256xf32, #tpu.memory_space<hbm>> -> memref<128x256xf32, #tpu.memory_space<hbm>>
      tpu.wait_indirect_dma semaphore(%arg13 : memref<!tpu.dma_semaphore, #tpu.memory_space<semaphore_mem>>) src(%dma_wait3A_69 : memref<128x256xf32, #tpu.memory_space<hbm>>) dst(%arg10 : memref<64x256xf32, #tpu.memory_space<vmem>>)
      %ge3A_70 = arith.constant 2 : i32
      %ge3A_71 = arith.cmpi sge, %add3A_62, %ge3A_70 : i32
      %convert_element_type3A_72 = arith.extui %ge3A_71 : i1 to i32
      %cond3A_73 = arith.constant 0 : i32
      %cond3A_74 = arith.cmpi ne, %convert_element_type3A_72, %cond3A_73 : i32
      scf.if %cond3A_74 {
        %dma_wait3A_149 = arith.constant 0 : i32
        %dma_wait3A_150 = tpu.memref_slice %arg5[%mul3A_2, %dma_wait3A_149] : memref<131072x256xf32, #tpu.memory_space<hbm>> -> memref<64x256xf32, #tpu.memory_space<hbm>>
        %dma_wait3A_151 = arith.constant 0 : i32
        %dma_wait3A_152 = tpu.memref_slice %arg5[%mul3A_2, %dma_wait3A_151] : memref<131072x256xf32, #tpu.memory_space<hbm>> -> memref<64x256xf32, #tpu.memory_space<hbm>>
        tpu.wait_dma2 semaphore(%arg14 : memref<!tpu.dma_semaphore, #tpu.memory_space<semaphore_mem>>) src(%arg12 : memref<64x256xf32, #tpu.memory_space<vmem>>) dst(%dma_wait3A_152 : memref<64x256xf32, #tpu.memory_space<hbm>>)
      } else {
      }
      %add3A_75 = arith.constant 2 : i32
      %add3A_76 = arith.addi %add3A_62, %add3A_75 : i32
      %lt3A_77 = arith.constant 64 : i32
      %lt3A_78 = arith.cmpi slt, %add3A_76, %lt3A_77 : i32
      %convert_element_type3A_79 = arith.extui %lt3A_78 : i1 to i32
      %cond3A_80 = arith.constant 0 : i32
      %cond3A_81 = arith.cmpi ne, %convert_element_type3A_79, %cond3A_80 : i32
      scf.if %cond3A_81 {
        %add3A_149 = arith.constant 2 : i32
        %add3A_150 = arith.addi %add3A_62, %add3A_149 : i32
        %dma_start3A_151 = arith.constant 0 : i32
        %dma_start3A_152 = tpu.memref_slice %arg8[%add3A_150, %dma_start3A_151] : memref<64x64xi32, #tpu.memory_space<vmem>> -> memref<1x64xi32, #tpu.memory_space<vmem>>
        %dma_start3A_153 = tpu.memref_squeeze %dma_start3A_152 : memref<1x64xi32, #tpu.memory_space<vmem>> -> memref<64xi32, #tpu.memory_space<vmem>>
        %dma_start3A_154 = arith.constant 0 : i32
        %dma_start3A_155 = arith.constant 0 : i32
        %dma_start3A_156 = tpu.memref_slice %arg4[%dma_start3A_154, %dma_start3A_155] : memref<128x256xf32, #tpu.memory_space<hbm>> -> memref<128x256xf32, #tpu.memory_space<hbm>>
        tpu.enqueue_indirect_dma source(%dma_start3A_156 : memref<128x256xf32, #tpu.memory_space<hbm>>) target(%arg12 : memref<64x256xf32, #tpu.memory_space<vmem>>) offsets(%dma_start3A_153 : memref<64xi32, #tpu.memory_space<vmem>>) semaphore(%arg13 : memref<!tpu.dma_semaphore, #tpu.memory_space<semaphore_mem>>)
      } else {
      }
      %mul3A_82 = arith.constant 64 : i32
      %mul3A_83 = arith.muli %add3A_62, %mul3A_82 : i32
      %add3A_84 = arith.addi %mul3A_2, %mul3A_83 : i32
      %dma_start3A_85 = arith.constant 0 : i32
      %dma_start3A_86 = tpu.memref_slice %arg5[%add3A_84, %dma_start3A_85] : memref<131072x256xf32, #tpu.memory_space<hbm>> -> memref<64x256xf32, #tpu.memory_space<hbm>>
      %dma_start3A_87 = arith.constant 0 : i32
      %dma_start3A_88 = tpu.memref_slice %arg5[%add3A_84, %dma_start3A_87] : memref<131072x256xf32, #tpu.memory_space<hbm>> -> memref<64x256xf32, #tpu.memory_space<hbm>>
      tpu.enqueue_dma source(%arg10 : memref<64x256xf32, #tpu.memory_space<vmem>>) target(%dma_start3A_88 : memref<64x256xf32, #tpu.memory_space<hbm>>) target_semaphore(%arg14 : memref<!tpu.dma_semaphore, #tpu.memory_space<semaphore_mem>>)
      %mul3A_89 = arith.constant 4 : i32
      %mul3A_90 = arith.muli %scan3A_32, %mul3A_89 : i32
      %add3A_91 = arith.constant 2 : i32
      %add3A_92 = arith.addi %mul3A_90, %add3A_91 : i32
      %dma_wait3A_93 = arith.constant 0 : i32
      %dma_wait3A_94 = arith.constant 0 : i32
      %dma_wait3A_95 = tpu.memref_slice %arg8[%dma_wait3A_93, %dma_wait3A_94] : memref<64x64xi32, #tpu.memory_space<vmem>> -> memref<1x64xi32, #tpu.memory_space<vmem>>
      %dma_wait3A_96 = tpu.memref_squeeze %dma_wait3A_95 : memref<1x64xi32, #tpu.memory_space<vmem>> -> memref<64xi32, #tpu.memory_space<vmem>>
      %dma_wait3A_97 = arith.constant 0 : i32
      %dma_wait3A_98 = arith.constant 0 : i32
      %dma_wait3A_99 = tpu.memref_slice %arg4[%dma_wait3A_97, %dma_wait3A_98] : memref<128x256xf32, #tpu.memory_space<hbm>> -> memref<128x256xf32, #tpu.memory_space<hbm>>
      tpu.wait_indirect_dma semaphore(%arg13 : memref<!tpu.dma_semaphore, #tpu.memory_space<semaphore_mem>>) src(%dma_wait3A_99 : memref<128x256xf32, #tpu.memory_space<hbm>>) dst(%arg11 : memref<64x256xf32, #tpu.memory_space<vmem>>)
      %ge3A_100 = arith.constant 2 : i32
      %ge3A_101 = arith.cmpi sge, %add3A_92, %ge3A_100 : i32
      %convert_element_type3A_102 = arith.extui %ge3A_101 : i1 to i32
      %cond3A_103 = arith.constant 0 : i32
      %cond3A_104 = arith.cmpi ne, %convert_element_type3A_102, %cond3A_103 : i32
      scf.if %cond3A_104 {
        %dma_wait3A_149 = arith.constant 0 : i32
        %dma_wait3A_150 = tpu.memref_slice %arg5[%mul3A_2, %dma_wait3A_149] : memref<131072x256xf32, #tpu.memory_space<hbm>> -> memref<64x256xf32, #tpu.memory_space<hbm>>
        %dma_wait3A_151 = arith.constant 0 : i32
        %dma_wait3A_152 = tpu.memref_slice %arg5[%mul3A_2, %dma_wait3A_151] : memref<131072x256xf32, #tpu.memory_space<hbm>> -> memref<64x256xf32, #tpu.memory_space<hbm>>
        tpu.wait_dma2 semaphore(%arg14 : memref<!tpu.dma_semaphore, #tpu.memory_space<semaphore_mem>>) src(%arg9 : memref<64x256xf32, #tpu.memory_space<vmem>>) dst(%dma_wait3A_152 : memref<64x256xf32, #tpu.memory_space<hbm>>)
      } else {
      }
      %add3A_105 = arith.constant 2 : i32
      %add3A_106 = arith.addi %add3A_92, %add3A_105 : i32
      %lt3A_107 = arith.constant 64 : i32
      %lt3A_108 = arith.cmpi slt, %add3A_106, %lt3A_107 : i32
      %convert_element_type3A_109 = arith.extui %lt3A_108 : i1 to i32
      %cond3A_110 = arith.constant 0 : i32
      %cond3A_111 = arith.cmpi ne, %convert_element_type3A_109, %cond3A_110 : i32
      scf.if %cond3A_111 {
        %add3A_149 = arith.constant 2 : i32
        %add3A_150 = arith.addi %add3A_92, %add3A_149 : i32
        %dma_start3A_151 = arith.constant 0 : i32
        %dma_start3A_152 = tpu.memref_slice %arg8[%add3A_150, %dma_start3A_151] : memref<64x64xi32, #tpu.memory_space<vmem>> -> memref<1x64xi32, #tpu.memory_space<vmem>>
        %dma_start3A_153 = tpu.memref_squeeze %dma_start3A_152 : memref<1x64xi32, #tpu.memory_space<vmem>> -> memref<64xi32, #tpu.memory_space<vmem>>
        %dma_start3A_154 = arith.constant 0 : i32
        %dma_start3A_155 = arith.constant 0 : i32
        %dma_start3A_156 = tpu.memref_slice %arg4[%dma_start3A_154, %dma_start3A_155] : memref<128x256xf32, #tpu.memory_space<hbm>> -> memref<128x256xf32, #tpu.memory_space<hbm>>
        tpu.enqueue_indirect_dma source(%dma_start3A_156 : memref<128x256xf32, #tpu.memory_space<hbm>>) target(%arg9 : memref<64x256xf32, #tpu.memory_space<vmem>>) offsets(%dma_start3A_153 : memref<64xi32, #tpu.memory_space<vmem>>) semaphore(%arg13 : memref<!tpu.dma_semaphore, #tpu.memory_space<semaphore_mem>>)
      } else {
      }
      %mul3A_112 = arith.constant 64 : i32
      %mul3A_113 = arith.muli %add3A_92, %mul3A_112 : i32
      %add3A_114 = arith.addi %mul3A_2, %mul3A_113 : i32
      %dma_start3A_115 = arith.constant 0 : i32
      %dma_start3A_116 = tpu.memref_slice %arg5[%add3A_114, %dma_start3A_115] : memref<131072x256xf32, #tpu.memory_space<hbm>> -> memref<64x256xf32, #tpu.memory_space<hbm>>
      %dma_start3A_117 = arith.constant 0 : i32
      %dma_start3A_118 = tpu.memref_slice %arg5[%add3A_114, %dma_start3A_117] : memref<131072x256xf32, #tpu.memory_space<hbm>> -> memref<64x256xf32, #tpu.memory_space<hbm>>
      tpu.enqueue_dma source(%arg11 : memref<64x256xf32, #tpu.memory_space<vmem>>) target(%dma_start3A_118 : memref<64x256xf32, #tpu.memory_space<hbm>>) target_semaphore(%arg14 : memref<!tpu.dma_semaphore, #tpu.memory_space<semaphore_mem>>)
      %mul3A_119 = arith.constant 4 : i32
      %mul3A_120 = arith.muli %scan3A_32, %mul3A_119 : i32
      %add3A_121 = arith.constant 3 : i32
      %add3A_122 = arith.addi %mul3A_120, %add3A_121 : i32
      %dma_wait3A_123 = arith.constant 0 : i32
      %dma_wait3A_124 = arith.constant 0 : i32
      %dma_wait3A_125 = tpu.memref_slice %arg8[%dma_wait3A_123, %dma_wait3A_124] : memref<64x64xi32, #tpu.memory_space<vmem>> -> memref<1x64xi32, #tpu.memory_space<vmem>>
      %dma_wait3A_126 = tpu.memref_squeeze %dma_wait3A_125 : memref<1x64xi32, #tpu.memory_space<vmem>> -> memref<64xi32, #tpu.memory_space<vmem>>
      %dma_wait3A_127 = arith.constant 0 : i32
      %dma_wait3A_128 = arith.constant 0 : i32
      %dma_wait3A_129 = tpu.memref_slice %arg4[%dma_wait3A_127, %dma_wait3A_128] : memref<128x256xf32, #tpu.memory_space<hbm>> -> memref<128x256xf32, #tpu.memory_space<hbm>>
      tpu.wait_indirect_dma semaphore(%arg13 : memref<!tpu.dma_semaphore, #tpu.memory_space<semaphore_mem>>) src(%dma_wait3A_129 : memref<128x256xf32, #tpu.memory_space<hbm>>) dst(%arg12 : memref<64x256xf32, #tpu.memory_space<vmem>>)
      %ge3A_130 = arith.constant 2 : i32
      %ge3A_131 = arith.cmpi sge, %add3A_122, %ge3A_130 : i32
      %convert_element_type3A_132 = arith.extui %ge3A_131 : i1 to i32
      %cond3A_133 = arith.constant 0 : i32
      %cond3A_134 = arith.cmpi ne, %convert_element_type3A_132, %cond3A_133 : i32
      scf.if %cond3A_134 {
        %dma_wait3A_149 = arith.constant 0 : i32
        %dma_wait3A_150 = tpu.memref_slice %arg5[%mul3A_2, %dma_wait3A_149] : memref<131072x256xf32, #tpu.memory_space<hbm>> -> memref<64x256xf32, #tpu.memory_space<hbm>>
        %dma_wait3A_151 = arith.constant 0 : i32
        %dma_wait3A_152 = tpu.memref_slice %arg5[%mul3A_2, %dma_wait3A_151] : memref<131072x256xf32, #tpu.memory_space<hbm>> -> memref<64x256xf32, #tpu.memory_space<hbm>>
        tpu.wait_dma2 semaphore(%arg14 : memref<!tpu.dma_semaphore, #tpu.memory_space<semaphore_mem>>) src(%arg10 : memref<64x256xf32, #tpu.memory_space<vmem>>) dst(%dma_wait3A_152 : memref<64x256xf32, #tpu.memory_space<hbm>>)
      } else {
      }
      %add3A_135 = arith.constant 2 : i32
      %add3A_136 = arith.addi %add3A_122, %add3A_135 : i32
      %lt3A_137 = arith.constant 64 : i32
      %lt3A_138 = arith.cmpi slt, %add3A_136, %lt3A_137 : i32
      %convert_element_type3A_139 = arith.extui %lt3A_138 : i1 to i32
      %cond3A_140 = arith.constant 0 : i32
      %cond3A_141 = arith.cmpi ne, %convert_element_type3A_139, %cond3A_140 : i32
      scf.if %cond3A_141 {
        %add3A_149 = arith.constant 2 : i32
        %add3A_150 = arith.addi %add3A_122, %add3A_149 : i32
        %dma_start3A_151 = arith.constant 0 : i32
        %dma_start3A_152 = tpu.memref_slice %arg8[%add3A_150, %dma_start3A_151] : memref<64x64xi32, #tpu.memory_space<vmem>> -> memref<1x64xi32, #tpu.memory_space<vmem>>
        %dma_start3A_153 = tpu.memref_squeeze %dma_start3A_152 : memref<1x64xi32, #tpu.memory_space<vmem>> -> memref<64xi32, #tpu.memory_space<vmem>>
        %dma_start3A_154 = arith.constant 0 : i32
        %dma_start3A_155 = arith.constant 0 : i32
        %dma_start3A_156 = tpu.memref_slice %arg4[%dma_start3A_154, %dma_start3A_155] : memref<128x256xf32, #tpu.memory_space<hbm>> -> memref<128x256xf32, #tpu.memory_space<hbm>>
        tpu.enqueue_indirect_dma source(%dma_start3A_156 : memref<128x256xf32, #tpu.memory_space<hbm>>) target(%arg10 : memref<64x256xf32, #tpu.memory_space<vmem>>) offsets(%dma_start3A_153 : memref<64xi32, #tpu.memory_space<vmem>>) semaphore(%arg13 : memref<!tpu.dma_semaphore, #tpu.memory_space<semaphore_mem>>)
      } else {
      }
      %mul3A_142 = arith.constant 64 : i32
      %mul3A_143 = arith.muli %add3A_122, %mul3A_142 : i32
      %add3A_144 = arith.addi %mul3A_2, %mul3A_143 : i32
      %dma_start3A_145 = arith.constant 0 : i32
      %dma_start3A_146 = tpu.memref_slice %arg5[%add3A_144, %dma_start3A_145] : memref<131072x256xf32, #tpu.memory_space<hbm>> -> memref<64x256xf32, #tpu.memory_space<hbm>>
      %dma_start3A_147 = arith.constant 0 : i32
      %dma_start3A_148 = tpu.memref_slice %arg5[%add3A_144, %dma_start3A_147] : memref<131072x256xf32, #tpu.memory_space<hbm>> -> memref<64x256xf32, #tpu.memory_space<hbm>>
      tpu.enqueue_dma source(%arg12 : memref<64x256xf32, #tpu.memory_space<vmem>>) target(%dma_start3A_148 : memref<64x256xf32, #tpu.memory_space<hbm>>) target_semaphore(%arg14 : memref<!tpu.dma_semaphore, #tpu.memory_space<semaphore_mem>>)
    }
    %scan3A_24 = arith.constant 16 : i32
    %dma_wait3A = arith.constant 0 : i32
    %dma_wait3A_25 = tpu.memref_slice %arg5[%mul3A_2, %dma_wait3A] : memref<131072x256xf32, #tpu.memory_space<hbm>> -> memref<64x256xf32, #tpu.memory_space<hbm>>
    %dma_wait3A_26 = arith.constant 0 : i32
    %dma_wait3A_27 = tpu.memref_slice %arg5[%mul3A_2, %dma_wait3A_26] : memref<131072x256xf32, #tpu.memory_space<hbm>> -> memref<64x256xf32, #tpu.memory_space<hbm>>
    tpu.wait_dma2 semaphore(%arg14 : memref<!tpu.dma_semaphore, #tpu.memory_space<semaphore_mem>>) src(%arg11 : memref<64x256xf32, #tpu.memory_space<vmem>>) dst(%dma_wait3A_27 : memref<64x256xf32, #tpu.memory_space<hbm>>)
    %dma_wait3A_28 = arith.constant 0 : i32
    %dma_wait3A_29 = tpu.memref_slice %arg5[%mul3A_2, %dma_wait3A_28] : memref<131072x256xf32, #tpu.memory_space<hbm>> -> memref<64x256xf32, #tpu.memory_space<hbm>>
    %dma_wait3A_30 = arith.constant 0 : i32
    %dma_wait3A_31 = tpu.memref_slice %arg5[%mul3A_2, %dma_wait3A_30] : memref<131072x256xf32, #tpu.memory_space<hbm>> -> memref<64x256xf32, #tpu.memory_space<hbm>>
    tpu.wait_dma2 semaphore(%arg14 : memref<!tpu.dma_semaphore, #tpu.memory_space<semaphore_mem>>) src(%arg12 : memref<64x256xf32, #tpu.memory_space<vmem>>) dst(%dma_wait3A_31 : memref<64x256xf32, #tpu.memory_space<hbm>>)
    return
  }
}

module attributes {stable_mosaic.version = 14 : i64} {
  func.func @_tc_block(%arg0: i32, %arg1: memref<64x128xi32, #tpu.memory_space<vmem>>, %arg2: memref<64x128xi32, #tpu.memory_space<vmem>>, %arg3: memref<64x128xi32, #tpu.memory_space<vmem>>, %arg4: memref<16x128xf32, #tpu.memory_space<vmem>>, %arg5: memref<8x128xf32, #tpu.memory_space<vmem>>, %arg6: memref<8192x256xf32, #tpu.memory_space<vmem>>, %arg7: memref<64x128xi32, #tpu.memory_space<vmem>>) attributes {dimension_semantics = [#tpu.dimension_semantics<arbitrary>], iteration_bounds = array<i64: 16>, scalar_prefetch = 0 : i64, scratch_operands = 0 : i64, tpu.core_type = #tpu.core_type<tc>, window_params = [{transform_indices = @transform_0, window_bounds = array<i64: 64, 128>}, {transform_indices = @transform_1, window_bounds = array<i64: 64, 128>}, {transform_indices = @transform_2, window_bounds = array<i64: 64, 128>}, {pipeline_mode = #tpu.pipeline_mode<synchronous>, transform_indices = @transform_3, window_bounds = array<i64: 16, 128>}, {pipeline_mode = #tpu.pipeline_mode<synchronous>, transform_indices = @transform_4, window_bounds = array<i64: 8, 128>}, {transform_indices = @transform_5, window_bounds = array<i64: 8192, 256>}, {transform_indices = @transform_6, window_bounds = array<i64: 64, 128>}]} {
    %get3A = arith.constant 0 : index
    %get3A_0 = arith.constant 0 : index
    %get3A_1 = vector.load %arg1[%get3A, %get3A_0] : memref<64x128xi32, #tpu.memory_space<vmem>>, vector<64x128xi32>
    %get3A_2 = arith.constant 0 : index
    %get3A_3 = arith.constant 0 : index
    %get3A_4 = vector.load %arg3[%get3A_2, %get3A_3] : memref<64x128xi32, #tpu.memory_space<vmem>>, vector<64x128xi32>
    %get3A_5 = arith.constant 0 : index
    %get3A_6 = arith.constant 0 : index
    %get3A_7 = vector.load %arg2[%get3A_5, %get3A_6] : memref<64x128xi32, #tpu.memory_space<vmem>>, vector<64x128xi32>
    %mul3A = arith.constant 8 : i32
    %mul3A_8 = vector.broadcast %mul3A : i32 to vector<64x128xi32>
    %mul3A_9 = arith.muli %get3A_1, %mul3A_8 : vector<64x128xi32>
    %add3A = arith.addi %mul3A_9, %get3A_4 : vector<64x128xi32>
    %convert_element_type3A = arith.sitofp %add3A : vector<64x128xi32> to vector<64x128xf32>
    %iota3A = tpu.iota {dimensions = array<i32: 0>} : vector<8192x64xi32>
    %iota3A_10 = tpu.iota {dimensions = array<i32: 1>} : vector<8192x64xi32>
    %jit3A = arith.constant 128 : i32
    %div3A = vector.broadcast %jit3A : i32 to vector<8192x64xi32>
    %div3A_11 = arith.divsi %iota3A, %div3A : vector<8192x64xi32>
    %sign3A = arith.constant 0 : i32
    %sign3A_12 = vector.broadcast %sign3A : i32 to vector<8192x64xi32>
    %sign3A_13 = arith.cmpi sgt, %iota3A, %sign3A_12 : vector<8192x64xi32>
    %sign3A_14 = arith.extui %sign3A_13 : vector<8192x64xi1> to vector<8192x64xi32>
    %sign3A_15 = arith.constant 0 : i32
    %sign3A_16 = vector.broadcast %sign3A_15 : i32 to vector<8192x64xi32>
    %sign3A_17 = arith.cmpi slt, %iota3A, %sign3A_16 : vector<8192x64xi32>
    %sign3A_18 = arith.extui %sign3A_17 : vector<8192x64xi1> to vector<8192x64xi32>
    %sign3A_19 = arith.subi %sign3A_14, %sign3A_18 : vector<8192x64xi32>
    %sign3A_20 = arith.constant 0 : i32
    %sign3A_21 = arith.cmpi sgt, %jit3A, %sign3A_20 : i32
    %sign3A_22 = arith.extui %sign3A_21 : i1 to i32
    %sign3A_23 = arith.constant 0 : i32
    %sign3A_24 = arith.cmpi slt, %jit3A, %sign3A_23 : i32
    %sign3A_25 = arith.extui %sign3A_24 : i1 to i32
    %sign3A_26 = arith.subi %sign3A_22, %sign3A_25 : i32
    %ne3A = vector.broadcast %sign3A_26 : i32 to vector<8192x64xi32>
    %ne3A_27 = arith.cmpi ne, %sign3A_19, %ne3A : vector<8192x64xi32>
    %rem3A = vector.broadcast %jit3A : i32 to vector<8192x64xi32>
    %rem3A_28 = arith.remsi %iota3A, %rem3A : vector<8192x64xi32>
    %ne3A_29 = arith.constant 0 : i32
    %ne3A_30 = vector.broadcast %ne3A_29 : i32 to vector<8192x64xi32>
    %ne3A_31 = arith.cmpi ne, %rem3A_28, %ne3A_30 : vector<8192x64xi32>
    %and3A = arith.andi %ne3A_27, %ne3A_31 : vector<8192x64xi1>
    %sub3A = arith.constant 1 : i32
    %sub3A_32 = vector.broadcast %sub3A : i32 to vector<8192x64xi32>
    %sub3A_33 = arith.subi %div3A_11, %sub3A_32 : vector<8192x64xi32>
    %select_n3A = arith.select %and3A, %sub3A_33, %div3A_11 : vector<8192x64xi1>, vector<8192x64xi32>
    %eq3A = arith.cmpi eq, %select_n3A, %iota3A_10 : vector<8192x64xi32>
    %convert_element_type3A_34 = arith.extui %eq3A : vector<8192x64xi1> to vector<8192x64xi32>
    %convert_element_type3A_35 = arith.sitofp %convert_element_type3A_34 : vector<8192x64xi32> to vector<8192x64xf32>
    %iota3A_36 = tpu.iota {dimensions = array<i32: 0>} : vector<8192x128xi32>
    %iota3A_37 = tpu.iota {dimensions = array<i32: 1>} : vector<8192x128xi32>
    %jit3A_38 = arith.constant 128 : i32
    %eq3A_39 = arith.constant 0 : i32
    %eq3A_40 = arith.cmpi eq, %jit3A_38, %eq3A_39 : i32
    %jit3A_41 = arith.constant 1 : i32
    %select_n3A_42 = arith.select %eq3A_40, %jit3A_41, %jit3A_38 : i32
    %rem3A_43 = vector.broadcast %select_n3A_42 : i32 to vector<8192x128xi32>
    %rem3A_44 = arith.remsi %iota3A_36, %rem3A_43 : vector<8192x128xi32>
    %ne3A_45 = arith.constant 0 : i32
    %ne3A_46 = vector.broadcast %ne3A_45 : i32 to vector<8192x128xi32>
    %ne3A_47 = arith.cmpi ne, %rem3A_44, %ne3A_46 : vector<8192x128xi32>
    %lt3A = arith.constant 0 : i32
    %lt3A_48 = vector.broadcast %lt3A : i32 to vector<8192x128xi32>
    %lt3A_49 = arith.cmpi slt, %rem3A_44, %lt3A_48 : vector<8192x128xi32>
    %lt3A_50 = arith.constant 0 : i32
    %lt3A_51 = arith.cmpi slt, %select_n3A_42, %lt3A_50 : i32
    %ne3A_52 = vector.broadcast %lt3A_51 : i1 to vector<8192x128xi1>
    %ne3A_53 = vector.broadcast %ne3A_52 : vector<8192x128xi1> to vector<8192x128xi1>
    %ne3A_54 = arith.xori %lt3A_49, %ne3A_53 : vector<8192x128xi1>
    %and3A_55 = arith.andi %ne3A_54, %ne3A_47 : vector<8192x128xi1>
    %add3A_56 = vector.broadcast %select_n3A_42 : i32 to vector<8192x128xi32>
    %add3A_57 = arith.addi %rem3A_44, %add3A_56 : vector<8192x128xi32>
    %select_n3A_58 = arith.select %and3A_55, %add3A_57, %rem3A_44 : vector<8192x128xi1>, vector<8192x128xi32>
    %eq3A_59 = arith.cmpi eq, %select_n3A_58, %iota3A_37 : vector<8192x128xi32>
    %convert_element_type3A_60 = arith.extui %eq3A_59 : vector<8192x128xi1> to vector<8192x128xi32>
    %convert_element_type3A_61 = arith.sitofp %convert_element_type3A_60 : vector<8192x128xi32> to vector<8192x128xf32>
    %broadcast_in_dim3A = arith.constant 1.000000e+00 : f32
    %broadcast_in_dim3A_62 = vector.broadcast %broadcast_in_dim3A : f32 to vector<128x1xf32>
    %dot_general3A = arith.constant dense<0.000000e+00> : vector<8192x128xf32>
    %dot_general3A_63 = tpu.matmul %convert_element_type3A_35, %convert_element_type3A, %dot_general3A {dimension_numbers = #tpu.dot_dimension_numbers<[1], [0], [0], [1], [0, 0, 1, 1], [], []>, transpose_lhs_hint = false} : vector<8192x64xf32>, vector<64x128xf32>, vector<8192x128xf32> -> vector<8192x128xf32>
    %mul3A_64 = arith.mulf %dot_general3A_63, %convert_element_type3A_61 : vector<8192x128xf32>
    %dot_general3A_65 = arith.constant dense<0.000000e+00> : vector<8192x1xf32>
    %dot_general3A_66 = tpu.matmul %mul3A_64, %broadcast_in_dim3A_62, %dot_general3A_65 {dimension_numbers = #tpu.dot_dimension_numbers<[1], [0], [0], [1], [0, 0, 1, 1], [], []>, transpose_lhs_hint = false} : vector<8192x128xf32>, vector<128x1xf32>, vector<8192x1xf32> -> vector<8192x1xf32>
    %iota3A_67 = tpu.iota {dimensions = array<i32: 0>} : vector<128x16xi32>
    %iota3A_68 = tpu.iota {dimensions = array<i32: 1>} : vector<128x16xi32>
    %jit3A_69 = arith.constant 8 : i32
    %div3A_70 = vector.broadcast %jit3A_69 : i32 to vector<128x16xi32>
    %div3A_71 = arith.divsi %iota3A_67, %div3A_70 : vector<128x16xi32>
    %sign3A_72 = arith.constant 0 : i32
    %sign3A_73 = vector.broadcast %sign3A_72 : i32 to vector<128x16xi32>
    %sign3A_74 = arith.cmpi sgt, %iota3A_67, %sign3A_73 : vector<128x16xi32>
    %sign3A_75 = arith.extui %sign3A_74 : vector<128x16xi1> to vector<128x16xi32>
    %sign3A_76 = arith.constant 0 : i32
    %sign3A_77 = vector.broadcast %sign3A_76 : i32 to vector<128x16xi32>
    %sign3A_78 = arith.cmpi slt, %iota3A_67, %sign3A_77 : vector<128x16xi32>
    %sign3A_79 = arith.extui %sign3A_78 : vector<128x16xi1> to vector<128x16xi32>
    %sign3A_80 = arith.subi %sign3A_75, %sign3A_79 : vector<128x16xi32>
    %sign3A_81 = arith.constant 0 : i32
    %sign3A_82 = arith.cmpi sgt, %jit3A_69, %sign3A_81 : i32
    %sign3A_83 = arith.extui %sign3A_82 : i1 to i32
    %sign3A_84 = arith.constant 0 : i32
    %sign3A_85 = arith.cmpi slt, %jit3A_69, %sign3A_84 : i32
    %sign3A_86 = arith.extui %sign3A_85 : i1 to i32
    %sign3A_87 = arith.subi %sign3A_83, %sign3A_86 : i32
    %ne3A_88 = vector.broadcast %sign3A_87 : i32 to vector<128x16xi32>
    %ne3A_89 = arith.cmpi ne, %sign3A_80, %ne3A_88 : vector<128x16xi32>
    %rem3A_90 = vector.broadcast %jit3A_69 : i32 to vector<128x16xi32>
    %rem3A_91 = arith.remsi %iota3A_67, %rem3A_90 : vector<128x16xi32>
    %ne3A_92 = arith.constant 0 : i32
    %ne3A_93 = vector.broadcast %ne3A_92 : i32 to vector<128x16xi32>
    %ne3A_94 = arith.cmpi ne, %rem3A_91, %ne3A_93 : vector<128x16xi32>
    %and3A_95 = arith.andi %ne3A_89, %ne3A_94 : vector<128x16xi1>
    %sub3A_96 = arith.constant 1 : i32
    %sub3A_97 = vector.broadcast %sub3A_96 : i32 to vector<128x16xi32>
    %sub3A_98 = arith.subi %div3A_71, %sub3A_97 : vector<128x16xi32>
    %select_n3A_99 = arith.select %and3A_95, %sub3A_98, %div3A_71 : vector<128x16xi1>, vector<128x16xi32>
    %eq3A_100 = arith.cmpi eq, %select_n3A_99, %iota3A_68 : vector<128x16xi32>
    %jit3A_101 = arith.constant 8 : i32
    %div3A_102 = vector.broadcast %jit3A_101 : i32 to vector<128x16xi32>
    %div3A_103 = arith.divsi %iota3A_67, %div3A_102 : vector<128x16xi32>
    %sign3A_104 = arith.constant 0 : i32
    %sign3A_105 = vector.broadcast %sign3A_104 : i32 to vector<128x16xi32>
    %sign3A_106 = arith.cmpi sgt, %iota3A_67, %sign3A_105 : vector<128x16xi32>
    %sign3A_107 = arith.extui %sign3A_106 : vector<128x16xi1> to vector<128x16xi32>
    %sign3A_108 = arith.constant 0 : i32
    %sign3A_109 = vector.broadcast %sign3A_108 : i32 to vector<128x16xi32>
    %sign3A_110 = arith.cmpi slt, %iota3A_67, %sign3A_109 : vector<128x16xi32>
    %sign3A_111 = arith.extui %sign3A_110 : vector<128x16xi1> to vector<128x16xi32>
    %sign3A_112 = arith.subi %sign3A_107, %sign3A_111 : vector<128x16xi32>
    %sign3A_113 = arith.constant 0 : i32
    %sign3A_114 = arith.cmpi sgt, %jit3A_101, %sign3A_113 : i32
    %sign3A_115 = arith.extui %sign3A_114 : i1 to i32
    %sign3A_116 = arith.constant 0 : i32
    %sign3A_117 = arith.cmpi slt, %jit3A_101, %sign3A_116 : i32
    %sign3A_118 = arith.extui %sign3A_117 : i1 to i32
    %sign3A_119 = arith.subi %sign3A_115, %sign3A_118 : i32
    %ne3A_120 = vector.broadcast %sign3A_119 : i32 to vector<128x16xi32>
    %ne3A_121 = arith.cmpi ne, %sign3A_112, %ne3A_120 : vector<128x16xi32>
    %rem3A_122 = vector.broadcast %jit3A_101 : i32 to vector<128x16xi32>
    %rem3A_123 = arith.remsi %iota3A_67, %rem3A_122 : vector<128x16xi32>
    %ne3A_124 = arith.constant 0 : i32
    %ne3A_125 = vector.broadcast %ne3A_124 : i32 to vector<128x16xi32>
    %ne3A_126 = arith.cmpi ne, %rem3A_123, %ne3A_125 : vector<128x16xi32>
    %and3A_127 = arith.andi %ne3A_121, %ne3A_126 : vector<128x16xi1>
    %sub3A_128 = arith.constant 1 : i32
    %sub3A_129 = vector.broadcast %sub3A_128 : i32 to vector<128x16xi32>
    %sub3A_130 = arith.subi %div3A_103, %sub3A_129 : vector<128x16xi32>
    %select_n3A_131 = arith.select %and3A_127, %sub3A_130, %div3A_103 : vector<128x16xi1>, vector<128x16xi32>
    %ne3A_132 = arith.constant 0 : i32
    %ne3A_133 = vector.broadcast %ne3A_132 : i32 to vector<128x16xi32>
    %ne3A_134 = arith.cmpi ne, %select_n3A_131, %ne3A_133 : vector<128x16xi32>
    %and3A_135 = arith.andi %eq3A_100, %ne3A_134 : vector<128x16xi1>
    %convert_element_type3A_136 = arith.extui %and3A_135 : vector<128x16xi1> to vector<128x16xi32>
    %convert_element_type3A_137 = arith.sitofp %convert_element_type3A_136 : vector<128x16xi32> to vector<128x16xf32>
    %iota3A_138 = tpu.iota {dimensions = array<i32: 0>} : vector<128x8xi32>
    %iota3A_139 = tpu.iota {dimensions = array<i32: 1>} : vector<128x8xi32>
    %jit3A_140 = arith.constant 8 : i32
    %eq3A_141 = arith.constant 0 : i32
    %eq3A_142 = arith.cmpi eq, %jit3A_140, %eq3A_141 : i32
    %jit3A_143 = arith.constant 1 : i32
    %select_n3A_144 = arith.select %eq3A_142, %jit3A_143, %jit3A_140 : i32
    %rem3A_145 = vector.broadcast %select_n3A_144 : i32 to vector<128x8xi32>
    %rem3A_146 = arith.remsi %iota3A_138, %rem3A_145 : vector<128x8xi32>
    %ne3A_147 = arith.constant 0 : i32
    %ne3A_148 = vector.broadcast %ne3A_147 : i32 to vector<128x8xi32>
    %ne3A_149 = arith.cmpi ne, %rem3A_146, %ne3A_148 : vector<128x8xi32>
    %lt3A_150 = arith.constant 0 : i32
    %lt3A_151 = vector.broadcast %lt3A_150 : i32 to vector<128x8xi32>
    %lt3A_152 = arith.cmpi slt, %rem3A_146, %lt3A_151 : vector<128x8xi32>
    %lt3A_153 = arith.constant 0 : i32
    %lt3A_154 = arith.cmpi slt, %select_n3A_144, %lt3A_153 : i32
    %ne3A_155 = vector.broadcast %lt3A_154 : i1 to vector<128x8xi1>
    %ne3A_156 = vector.broadcast %ne3A_155 : vector<128x8xi1> to vector<128x8xi1>
    %ne3A_157 = arith.xori %lt3A_152, %ne3A_156 : vector<128x8xi1>
    %and3A_158 = arith.andi %ne3A_157, %ne3A_149 : vector<128x8xi1>
    %add3A_159 = vector.broadcast %select_n3A_144 : i32 to vector<128x8xi32>
    %add3A_160 = arith.addi %rem3A_146, %add3A_159 : vector<128x8xi32>
    %select_n3A_161 = arith.select %and3A_158, %add3A_160, %rem3A_146 : vector<128x8xi1>, vector<128x8xi32>
    %eq3A_162 = arith.cmpi eq, %select_n3A_161, %iota3A_139 : vector<128x8xi32>
    %jit3A_163 = arith.constant 8 : i32
    %eq3A_164 = arith.constant 0 : i32
    %eq3A_165 = arith.cmpi eq, %jit3A_163, %eq3A_164 : i32
    %jit3A_166 = arith.constant 1 : i32
    %select_n3A_167 = arith.select %eq3A_165, %jit3A_166, %jit3A_163 : i32
    %rem3A_168 = vector.broadcast %select_n3A_167 : i32 to vector<128x8xi32>
    %rem3A_169 = arith.remsi %iota3A_138, %rem3A_168 : vector<128x8xi32>
    %ne3A_170 = arith.constant 0 : i32
    %ne3A_171 = vector.broadcast %ne3A_170 : i32 to vector<128x8xi32>
    %ne3A_172 = arith.cmpi ne, %rem3A_169, %ne3A_171 : vector<128x8xi32>
    %lt3A_173 = arith.constant 0 : i32
    %lt3A_174 = vector.broadcast %lt3A_173 : i32 to vector<128x8xi32>
    %lt3A_175 = arith.cmpi slt, %rem3A_169, %lt3A_174 : vector<128x8xi32>
    %lt3A_176 = arith.constant 0 : i32
    %lt3A_177 = arith.cmpi slt, %select_n3A_167, %lt3A_176 : i32
    %ne3A_178 = vector.broadcast %lt3A_177 : i1 to vector<128x8xi1>
    %ne3A_179 = vector.broadcast %ne3A_178 : vector<128x8xi1> to vector<128x8xi1>
    %ne3A_180 = arith.xori %lt3A_175, %ne3A_179 : vector<128x8xi1>
    %and3A_181 = arith.andi %ne3A_180, %ne3A_172 : vector<128x8xi1>
    %add3A_182 = vector.broadcast %select_n3A_167 : i32 to vector<128x8xi32>
    %add3A_183 = arith.addi %rem3A_169, %add3A_182 : vector<128x8xi32>
    %select_n3A_184 = arith.select %and3A_181, %add3A_183, %rem3A_169 : vector<128x8xi1>, vector<128x8xi32>
    %ne3A_185 = arith.constant 0 : i32
    %ne3A_186 = vector.broadcast %ne3A_185 : i32 to vector<128x8xi32>
    %ne3A_187 = arith.cmpi ne, %select_n3A_184, %ne3A_186 : vector<128x8xi32>
    %and3A_188 = arith.andi %eq3A_162, %ne3A_187 : vector<128x8xi1>
    %convert_element_type3A_189 = arith.extui %and3A_188 : vector<128x8xi1> to vector<128x8xi32>
    %convert_element_type3A_190 = arith.sitofp %convert_element_type3A_189 : vector<128x8xi32> to vector<128x8xf32>
    %get3A_191 = arith.constant 0 : index
    %get3A_192 = arith.constant 0 : index
    %get3A_193 = vector.load %arg4[%get3A_191, %get3A_192] : memref<16x128xf32, #tpu.memory_space<vmem>>, vector<16x128xf32>
    %dot_general3A_194 = arith.constant dense<0.000000e+00> : vector<128x128xf32>
    %dot_general3A_195 = tpu.matmul %convert_element_type3A_137, %get3A_193, %dot_general3A_194 {dimension_numbers = #tpu.dot_dimension_numbers<[1], [0], [0], [1], [0, 0, 1, 1], [], []>, transpose_lhs_hint = false} : vector<128x16xf32>, vector<16x128xf32>, vector<128x128xf32> -> vector<128x128xf32>
    %get3A_196 = arith.constant 0 : index
    %get3A_197 = arith.constant 0 : index
    %get3A_198 = vector.load %arg5[%get3A_196, %get3A_197] : memref<8x128xf32, #tpu.memory_space<vmem>>, vector<8x128xf32>
    %dot_general3A_199 = arith.constant dense<0.000000e+00> : vector<128x128xf32>
    %dot_general3A_200 = tpu.matmul %convert_element_type3A_190, %get3A_198, %dot_general3A_199 {dimension_numbers = #tpu.dot_dimension_numbers<[1], [0], [0], [1], [0, 0, 1, 1], [], []>, transpose_lhs_hint = false} : vector<128x8xf32>, vector<8x128xf32>, vector<128x128xf32> -> vector<128x128xf32>
    %iota3A_201 = tpu.iota {dimensions = array<i32: 1>} : vector<8192x128xi32>
    %convert_element_type3A_202 = arith.fptosi %dot_general3A_66 : vector<8192x1xf32> to vector<8192x1xi32>
    %eq3A_203 = vector.broadcast %convert_element_type3A_202 : vector<8192x1xi32> to vector<8192x128xi32>
    %eq3A_204 = arith.cmpi eq, %eq3A_203, %iota3A_201 : vector<8192x128xi32>
    %convert_element_type3A_205 = arith.extui %eq3A_204 : vector<8192x128xi1> to vector<8192x128xi32>
    %convert_element_type3A_206 = arith.sitofp %convert_element_type3A_205 : vector<8192x128xi32> to vector<8192x128xf32>
    %dot_general3A_207 = arith.constant dense<0.000000e+00> : vector<8192x128xf32>
    %dot_general3A_208 = tpu.matmul %convert_element_type3A_206, %dot_general3A_195, %dot_general3A_207 {dimension_numbers = #tpu.dot_dimension_numbers<[1], [0], [0], [1], [0, 0, 1, 1], [], []>, transpose_lhs_hint = false} : vector<8192x128xf32>, vector<128x128xf32>, vector<8192x128xf32> -> vector<8192x128xf32>
    %swap3A = arith.constant 0 : index
    %swap3A_209 = arith.constant 0 : index
    %swap3A_210 = vector.load %arg6[%swap3A, %swap3A_209] : memref<8192x256xf32, #tpu.memory_space<vmem>>, vector<8192x128xf32>
    tpu.vector_store %arg6[%swap3A, %swap3A_209], %dot_general3A_208 {strides = array<i32>} : memref<8192x256xf32, #tpu.memory_space<vmem>>, vector<8192x128xf32>,
    %dot_general3A_211 = arith.constant dense<0.000000e+00> : vector<8192x128xf32>
    %dot_general3A_212 = tpu.matmul %convert_element_type3A_206, %dot_general3A_200, %dot_general3A_211 {dimension_numbers = #tpu.dot_dimension_numbers<[1], [0], [0], [1], [0, 0, 1, 1], [], []>, transpose_lhs_hint = false} : vector<8192x128xf32>, vector<128x128xf32>, vector<8192x128xf32> -> vector<8192x128xf32>
    %swap3A_213 = arith.constant 0 : index
    %swap3A_214 = arith.constant 128 : index
    %swap3A_215 = vector.load %arg6[%swap3A_213, %swap3A_214] : memref<8192x256xf32, #tpu.memory_space<vmem>>, vector<8192x128xf32>
    tpu.vector_store %arg6[%swap3A_213, %swap3A_214], %dot_general3A_212 {strides = array<i32>} : memref<8192x256xf32, #tpu.memory_space<vmem>>, vector<8192x128xf32>,
    %eq3A_216 = arith.constant 5 : i32
    %eq3A_217 = vector.broadcast %eq3A_216 : i32 to vector<64x128xi32>
    %eq3A_218 = arith.cmpi eq, %get3A_7, %eq3A_217 : vector<64x128xi32>
    %convert_element_type3A_219 = arith.extui %eq3A_218 : vector<64x128xi1> to vector<64x128xi32>
    %swap3A_220 = arith.constant 0 : index
    %swap3A_221 = arith.constant 0 : index
    %swap3A_222 = vector.load %arg7[%swap3A_220, %swap3A_221] : memref<64x128xi32, #tpu.memory_space<vmem>>, vector<64x128xi32>
    tpu.vector_store %arg7[%swap3A_220, %swap3A_221], %convert_element_type3A_219 {strides = array<i32>} : memref<64x128xi32, #tpu.memory_space<vmem>>, vector<64x128xi32>,
    return
  }
  func.func @transform_0(%arg0: i32) -> (i32, i32) {
    %c0_i32 = arith.constant 0 : i32
    %c0_i32_0 = arith.constant 0 : i32
    return %arg0, %c0_i32 : i32, i32
  }
  func.func @transform_1(%arg0: i32) -> (i32, i32) {
    %c0_i32 = arith.constant 0 : i32
    %c0_i32_0 = arith.constant 0 : i32
    return %arg0, %c0_i32 : i32, i32
  }
  func.func @transform_2(%arg0: i32) -> (i32, i32) {
    %c0_i32 = arith.constant 0 : i32
    %c0_i32_0 = arith.constant 0 : i32
    return %arg0, %c0_i32 : i32, i32
  }
  func.func @transform_3(%arg0: i32) -> (i32, i32) {
    %c0_i32 = arith.constant 0 : i32
    %c0_i32_0 = arith.constant 0 : i32
    %c0_i32_1 = arith.constant 0 : i32
    return %c0_i32, %c0_i32_0 : i32, i32
  }
  func.func @transform_4(%arg0: i32) -> (i32, i32) {
    %c0_i32 = arith.constant 0 : i32
    %c0_i32_0 = arith.constant 0 : i32
    %c0_i32_1 = arith.constant 0 : i32
    return %c0_i32, %c0_i32_0 : i32, i32
  }
  func.func @transform_5(%arg0: i32) -> (i32, i32) {
    %c0_i32 = arith.constant 0 : i32
    %c0_i32_0 = arith.constant 0 : i32
    return %arg0, %c0_i32 : i32, i32
  }
  func.func @transform_6(%arg0: i32) -> (i32, i32) {
    %c0_i32 = arith.constant 0 : i32
    %c0_i32_0 = arith.constant 0 : i32
    return %arg0, %c0_i32 : i32, i32
  }
}

</mosaic_0001>

<sc_bundles>
// kernel: kernel.4.cloned.1.call-start
scs
__scs_entry_jumppad:
0x0: {  	(pc) =	sbr.rel $0x88, $3  }
0x1: {  	(tag) =	ssettag $0x0;
	lr =	simm.s32 $0x1  }
0x2: {  	[smem:$0x3F9A] =	sst lr;
	_ =	strace $0xD0000000  }
0x3: {  	_ = 	snop  }
0x4: {  	_ = 	snop  }
0x5: {  	_ = 	snop  }
0x6: {  	_ = 	snop  }
0x7: {  	_ = 	snop  }
__scs_overlays_trampoline_lowered:
0x8: {  	[smem:$0x3FA9] =	sst s0  }
0x9: {  	[smem:$0x3FAA] =	sst s1  }
0xa: {  	[smem:$0x3FAB] =	sst s2  }
0xb: {  	[smem:$0x3FAC] =	sst s3  }
0xc: {  	[smem:$0x3FAD] =	sst s4  }
0xd: {  	[smem:$0x3FAE] =	sst s5  }
0xe: {  	[smem:$0x3FAF] =	sst s6  }
0xf: {  	[smem:$0x3FB0] =	sst s7  }
0x10: {  	[smem:$0x3FB1] =	sst s8  }
0x11: {  	[smem:$0x3FB2] =	sst s9;
	s0 =	simm.s32 @!p0 $0x0  }
0x12: {  	s1 =	sld [smem:$0x3F98];
	s0 =	simm.s32 @p0 $0x1  }
0x13: {  	[smem:$0x3FB3] =	sst s0;
	s0 =	simm.s32 @!p1 $0x0  }
0x14: {  	s2 =	sld [smem:$0x3F97];
	s0 =	simm.s32 @p1 $0x1  }
0x15: {  	[smem:$0x3FB4] =	sst s0;
	s0 =	simm.s32 @!p2 $0x0  }
0x16: {  	s3 =	sld [smem:$0x3FDB];
	s0 =	simm.s32 @p2 $0x1  }
0x17: {  	s4 =	simm.s32 $0x1BF5;
	[smem:$0x3FB6] =	sst s0  }
0x18: {  	s0 =	sld [smem:$0x3F99];
	_ =	swait.ge [sflag:s4], $0x0  }
0x19: {  	s7 =	sld [smem:$0x3F9A]  }
0x1a: {  	s8 =	sadd.s32 $0xFFFFE003, lr  }
0x1b: {  	s9 =	sadd.s32 $0xFFFFFEF7, lr;
	s5 =	simm.s32 $0xFFFFFFFF;
	p2 =	slt.u32 s8, $0xFFFFF086  }
0x1c: {  	p1 =	slt.u32 s9, $0xF7A;
	s5 =	simm.s32 @!p2 $0x0  }
0x1d: {  	s5 =	simm.s32 @p1 $0x1;
	p0 =	seq.s32 s7, s2  }
0x1e: {  	s7 =	smul.u32 @!p0 $0xF7A, s2;
	p2 =	seq.s32 @!p0 s5, $0x0  }
0x1f: {  	s9 =	smul.u32 $0xF7A, s1;
	s8 =	simm.s32 @!p0 $0x1BF5;
	p2 =	por !p2, p0  }
0x20: {  	[sflag:s8] =	ssyncset.s32 @!p0 $0xFFFFF086;
	s6 =	sadd.s32 @!p0 s3, s7;
	s7 =	simm.s32 @!p0 $0x108  }
0x21: {  	s3 =	sadd.s32 s3, s9;
	s6 =	sadd.s32 @!p0 $0x88, s6;
	s7 =	simm.s32 @p2 $0x1082  }
0x22: {  	[simem:s7], [sflag:s8] =	dma.local @!p0 [hbm:s6], $0xF7A  }
0x23: {  	s9 =	sor.u32 $0xD0000000, s2;
	s6 =	simm.s32 $0x108;
	_ =	swait.ge @!p0 [sflag:s8], $0x0  }
0x24: {  	s3 =	sadd.s32 $0x88, s3;
	s6 =	simm.s32 @!p1 $0x1082;
	[sflag:s4] =	ssyncset.s32 $0xFFFFF086  }
0x25: {  	[simem:s6], [sflag:s4] =	dma.local [hbm:s3], $0xF7A  }
0x26: {  	[smem:$0x3F9A] =	sst s1;
	(tag) =	ssettag s2;
	_ =	strace s9  }
0x27: {  	s1 =	sld [smem:$0x3FAA]  }
0x28: {  	s2 =	sld [smem:$0x3FAB]  }
0x29: {  	s4 =	sld [smem:$0x3FAD]  }
0x2a: {  	p0 =	seq.s32 s5, $0x0;
	s5 =	sld [smem:$0x3FAE]  }
0x2b: {  	s6 =	sld [smem:$0x3FAF]  }
0x2c: {  	s7 =	sld [smem:$0x3FB0]  }
0x2d: {  	s3 =	simm.s32 $0x108;
	s8 =	sld [smem:$0x3FB1]  }
0x2e: {  	s3 =	simm.s32 @!p0 $0x1082;
	s9 =	sld [smem:$0x3FB2]  }
0x2f: {  	lr =	sadd.s32 s0, s3;
	s0 =	sld [smem:$0x3FA9]  }
0x30: {  	s3 =	sld [smem:$0x3FAC]  }
0x31: {  	[smem:$0x3FB5] =	sst s10  }
0x32: {  	s10 =	sld [smem:$0x3FB3];
	_ =	sdelay $0x3  }
0x33: {  	p0 =	seq.s32 s10, $0x1;
	s10 =	sld [smem:$0x3FB5];
	_ =	sdelay $0x3  }
0x34: {  	[smem:$0x3FB5] =	sst s10  }
0x35: {  	s10 =	sld [smem:$0x3FB4];
	_ =	sdelay $0x3  }
0x36: {  	p1 =	seq.s32 s10, $0x1;
	s10 =	sld [smem:$0x3FB5];
	_ =	sdelay $0x3  }
0x37: {  	[smem:$0x3FB5] =	sst s10  }
0x38: {  	s10 =	sld [smem:$0x3FB6]  }
0x39: {  	_ = 	snop;
	(pc) =	sbr.ind lr, $3  }
0x3a: {  	_ = 	snop  }
0x3b: {  	_ = 	snop  }
0x3c: {  	p2 =	seq.s32 s10, $0x1;
	s10 =	sld [smem:$0x3FB5]  }
0x3d: {  	_ =	shalt  }
0x3e: {  	_ =	shalt  }
0x3f: {  	_ =	shalt  }
0x40: {  	_ =	shalt  }
0x41: {  	_ =	shalt  }
0x42: {  	_ =	shalt  }
0x43: {  	_ =	shalt  }
0x44: {  	_ =	shalt  }
0x45: {  	_ =	shalt  }
0x46: {  	_ =	shalt  }
0x47: {  	_ =	shalt  }
0x48: {  	_ =	shalt  }
0x49: {  	_ =	shalt  }
0x4a: {  	_ =	shalt  }
0x4b: {  	_ =	shalt  }
0x4c: {  	_ =	shalt  }
0x4d: {  	_ =	shalt  }
0x4e: {  	_ =	shalt  }
0x4f: {  	_ =	shalt  }
0x50: {  	_ =	shalt  }
0x51: {  	_ =	shalt  }
0x52: {  	_ =	shalt  }
0x53: {  	_ =	shalt  }
0x54: {  	_ =	shalt  }
0x55: {  	_ =	shalt  }
0x56: {  	_ =	shalt  }
0x57: {  	_ =	shalt  }
0x58: {  	_ =	shalt  }
0x59: {  	_ =	shalt  }
0x5a: {  	_ =	shalt  }
0x5b: {  	_ =	shalt  }
0x5c: {  	_ =	shalt  }
0x5d: {  	_ =	shalt  }
0x5e: {  	_ =	shalt  }
0x5f: {  	_ =	shalt  }
0x60: {  	_ =	shalt  }
0x61: {  	_ =	shalt  }
0x62: {  	_ =	shalt  }
0x63: {  	_ =	shalt  }
0x64: {  	_ =	shalt  }
0x65: {  	_ =	shalt  }
0x66: {  	_ =	shalt  }
0x67: {  	_ =	shalt  }
0x68: {  	_ =	shalt  }
0x69: {  	_ =	shalt  }
0x6a: {  	_ =	shalt  }
0x6b: {  	_ =	shalt  }
0x6c: {  	_ =	shalt  }
0x6d: {  	_ =	shalt  }
0x6e: {  	_ =	shalt  }
0x6f: {  	_ =	shalt  }
0x70: {  	_ =	shalt  }
0x71: {  	_ =	shalt  }
0x72: {  	_ =	shalt  }
0x73: {  	_ =	shalt  }
0x74: {  	_ =	shalt  }
0x75: {  	_ =	shalt  }
0x76: {  	_ =	shalt  }
0x77: {  	_ =	shalt  }
0x78: {  	_ =	shalt  }
0x79: {  	_ =	shalt  }
0x7a: {  	_ =	shalt  }
0x7b: {  	_ =	shalt  }
0x7c: {  	_ =	shalt  }
0x7d: {  	_ =	shalt  }
0x7e: {  	_ =	shalt  }
0x7f: {  	_ =	shalt  }
0x80: {  	_ =	shalt  }
0x81: {  	_ =	shalt  }
0x82: {  	_ =	shalt  }
0x83: {  	_ =	shalt  }
0x84: {  	_ =	shalt  }
0x85: {  	_ =	shalt  }
0x86: {  	_ =	shalt  }
0x87: {  	_ =	shalt  }
.Lfunc_end0:
.L_simem_size_0:
called_computation_lowered:
.L_overlay_start_0:
0x88: {  	s2 =	sld [smem:$0x3FD9]  }
0x89: {  	s3 =	sld [smem:$0x3FFE];
	_ =	sdelay $0x1  }
0x8a: {  	s1 =	srdreg.scid  }
0x8b: {  	s0 =	sand.u32 $0x1, s1  }
0x8c: {  	s15 =	sshll.u32 s0, $0xA;
	s2 =	sadd.s32 s3, s2  }
0x8d: {  	s2 =	sadd.s32 s2, s15  }
0x8e: {  	[smem:$0x3FC1] =	sst s2  }
0x8f: {  	_ = 	snop  }
0x90: {  	s2 =	sld [smem:$0x3FD0];
	_ =	sdelay $0x2  }
0x91: {  	s16 =	simm.s32 $0xA;
	s4 =	simm.s32 $0x10  }
0x92: {  	[smem:s4], [sflag:s16] =	dma.local [hbm:s2], $0x1  }
0x93: {  	_ =	swait.eq [sflag:s16], $0x1  }
0x94: {  	s17 =	sld [smem:$0x11]  }
0x95: {  	s18 =	sld [smem:$0x12];
	[sflag:s16] =	ssyncset.done $0x0  }
0x96: {  	s5 =	sld [smem:$0x13];
	[sflag:s16] =	ssyncadd.s32 $0xFFFFFFFF  }
0x97: {  	s19 =	sld [smem:$0x14];
	(tm) =	ssettm $0x1  }
0x98: {  	s6 =	sld [smem:$0x3FFB];
	_ =	sdelay $0x3  }
0x99: {  	_ =	strace s6  }
0x9a: {  	s6 =	sld [smem:$0x3FFC];
	_ =	sdelay $0x3  }
0x9b: {  	_ =	strace s6  }
0x9c: {  	s6 =	sld [smem:$0x3FFD];
	_ =	sdelay $0x3  }
0x9d: {  	_ =	strace s6  }
0x9e: {  	_ =	strace $0x8FFFFFFF  }
0x9f: {  	s20 =	sld [smem:$0x3FDB];
	_ =	sdelay $0x1  }
0xa0: {  	s7 =	simm.s32 $_scs_section_size  }
0xa1: {  	s8 =	simm.s32 $_size__tile_overlayer_lowered;
	s9 =	simm.s32 $_tile_overlayer_lowered  }
0xa2: {  	s23 =	simm.s32 $0x1BFF;
	s22 =	sshll.u32 s9, $0x1;
	s6 =	sadd.s32 s7, s20  }
0xa3: {  	s10 =	simm.s32 $0x0;
	s21 =	sshll.u32 s8, $0x1;
	s8 =	sadd.s32 s22, s6  }
0xa4: {  	[timem:s10], [sflag:s23] =	dma.local [hbm:s8], s21  }
0xa5: {  	_ =	swait.ge [sflag:s23], s21  }
0xa6: {  	s7 =	ssub.s32 $0x0, s21;
	[sflag:s23] =	ssyncset.done $0x0  }
0xa7: {  	[sflag:s23] =	ssyncadd.s32 s7;
	_ =	sdelay $0x1  }
0xa8: {  	s24 =	simm.s32 $0x1B8B  }
0xa9: {  	_ =	swait.ge [sflag:s24], $0x1  }
0xaa: {  	[sflag:s24] =	ssyncset.done $0x0  }
0xab: {  	s25 =	simm.s32 $0x1B8E;
	[sflag:s24] =	ssyncadd.s32 $0xFFFFFFFF  }
0xac: {  	s26 =	simm.s32 $execute0_lowered;
	[smem:$0x3FD2] =	sst s25  }
0xad: {  	s7 =	sshll.u32 s26, $0x1;
	_ =	strace $0x80000046;
	[dreg:$0x1] =	wrdreg $0xFFFFFFFF  }
0xae: {  	s28 =	simm.s32 $_size_execute0_lowered;
	s6 =	sadd.s32 s6, s7;
	[dreg:$0x0] =	wrdreg $0x0  }
0xaf: {  	s7 =	sshll.u32 s28, $0x1;
	[dreg:$0x2] =	wrdreg s6  }
0xb0: {  	[dreg:$0x3] =	wrdreg s7  }
0xb1: {  	[dreg:$0x4] =	wrdreg $0xC0  }
0xb2: {  	_ =	task [dreg:s10], $0x5FFFF  }
0xb3: {  	[dreg:$0x1] =	wrdreg $0xFFFFFFFF  }
0xb4: {  	[dreg:$0x0] =	wrdreg $0x60  }
0xb5: {  	[dreg:$0x2] =	wrdreg s19  }
0xb6: {  	[dreg:$0x3] =	wrdreg s5  }
0xb7: {  	[dreg:$0x4] =	wrdreg s18  }
0xb8: {  	[dreg:$0x5] =	wrdreg s17  }
0xb9: {  	[dreg:$0x6] =	wrdreg $0x9  }
0xba: {  	_ =	task.clear_ibuf [dreg:s10], $0x7FFFF;
	_ =	strace $0x90000046  }
0xbb: {  	s29 =	simm.s32 $0x9;
	_ =	strace $0x80000048  }
0xbc: {  	_ =	swait.ge [sflag:s29], $0x1  }
0xbd: {  	[sflag:s29] =	ssyncadd.s32 $0xFFFFFFFF  }
0xbe: {  	_ =	strace $0x90000048  }
0xbf: {  	_ =	sfence  }
0xc0: {  	s30 =	sld [smem:$0x0];
	_ =	sdelay $0x2  }
0xc1: {  	s31 =	sshll.u32 s1, $0xD;
	s1 =	sshrl.u32 s1, $0x2  }
0xc2: {  	s3 =	sand.u32 $0x4000, s31;
	s1 =	sadd.s32 s1, s30  }
0xc3: {  	s0 =	sor.u32 s3, s0;
	s1 =	sshll.u32 s1, $0x11  }
0xc4: {  	s0 =	sor.u32 s1, s0  }
0xc5: {  	s0 =	sadd.s32 $0x8F2B, s0  }
0xc6: {  	[sflag:s0] =	ssyncadd.remote.s32 $0x1  }
0xc7: {  	_ =	sfence.sel $0xFFFF  }
0xc8: {  	[dreg:$0x0] =	wrdreg $0xFFFFFFFF;
	(pc) =	sbr.abs _section_cstart, $3  }
0xc9: {  	[dreg:$0x1] =	wrdreg $0xFFFFFFFF  }
0xca: {  	_ =	task.clear_ibuf [dreg:s10], $0x2FFFF;
	_ =	strace $0x9FFFFFFF  }
0xcb: {  	(tm) =	ssettm $0x7FFFFFFF  }
tec
execute0_lowered:
.L_overlay_start_1:
0x0: {  	(tag) =	ssettag $0x1  }
0x1: {  	s0 =	rddreg [dreg:$0x0]  }
0x2: {  	s2 =	rddreg [dreg:$0x1]  }
0x3: {  	s1 =	rddreg [dreg:$0x2]  }
0x4: {  	s5 =	rddreg [dreg:$0x3];
	s3 =	simm.s32 $0x0;
	s4 =	srdreg.scid  }
0x5: {  	s10 =	stileid.u32;
	s14 =	simm.s32 $0xC800;
	s15 =	simm.s32 $0xD000  }
0x6: {  	s16 =	simm.s32 $0xD800;
	s17 =	simm.s32 $0xE000;
	s18 =	simm.s32 $0xE800  }
0x7: {  	s19 =	simm.s32 $0xF000;
	s20 =	simm.s32 $0xF800;
	s21 =	simm.s32 $0x10800  }
0x8: {  	s22 =	simm.s32 $0x11000;
	s23 =	simm.s32 $0x11800;
	[smem:$0x7FF] =	sst s3  }
0x9: {  	s24 =	simm.s32 $0x12000;
	_ =	strace $0x80000047;
	[dreg:$0x6] =	wrdreg s14  }
0xa: {  	s25 =	simm.s32 $0x12800;
	s28 =	simm.s32 $0x10000;
	[dreg:$0x7] =	wrdreg s15  }
0xb: {  	s29 =	simm.s32 $0x13800;
	s30 =	simm.s32 $0x2;
	[dreg:$0x8] =	wrdreg s16  }
0xc: {  	s31 =	simm.s32 $0x0;
	s6 =	sand.u32 $0x1, s4;
	[dreg:$0x9] =	wrdreg s17  }
0xd: {  	s7 =	sshll.u32 s10, $0xD;
	s11 =	sshll.u32 s10, $0x12;
	[dreg:$0xa] =	wrdreg s18  }
0xe: {  	s4 =	ssub.s32 $0x2, s6;
	s8 =	sshll.u32 s6, $0xC;
	[dreg:$0xb] =	wrdreg s19  }
0xf: {  	s12 =	sadd.s32 s11, s5;
	s13 =	sshll.u32 s6, $0x11;
	[dreg:$0xc] =	wrdreg s20  }
0x10: {  	s14 =	simm.s32 $0x6800;
	s15 =	simm.s32 $0x7000;
	[dreg:$0xd] =	wrdreg s21  }
0x11: {  	s16 =	simm.s32 $0x7800;
	s17 =	simm.s32 $0x8000;
	[dreg:$0xe] =	wrdreg s22  }
0x12: {  	s18 =	simm.s32 $0x8800;
	s19 =	simm.s32 $0x9000;
	[dreg:$0xf] =	wrdreg s23  }
0x13: {  	s20 =	simm.s32 $0x9800;
	s21 =	simm.s32 $0xA000;
	[dreg:$0x10] =	wrdreg s24  }
0x14: {  	s22 =	simm.s32 $0xA800;
	[dreg:$0x11] =	wrdreg s25;
	s23 =	simm.s32 $0xB000  }
0x15: {  	s24 =	simm.s32 $0xB800;
	s9 =	sshrl.u32 s4, $0x1;
	s7 =	sor.u32 s8, s7  }
0x16: {  	s25 =	simm.s32 $0x1;
	s26 =	ssub.s32 s4, s9;
	s7 =	sshrl.u32 s7, $0x3  }
0x17: {  	s9 =	simm.s32 $0x4000;
	s4 =	sadd.s32 s0, s7;
	s5 =	sadd.s32 s2, s7  }
0x18: {  	v2 =	vlaneseq.u32;
	s6 =	smax.u32 s26, $0x1;
	s0 =	sadd.s32 s13, s12;
	s7 =	simm.s32 $0x3  }
0x19: {  	vm0 =	vmmov $0xffff;
	v1 =	vshrl.u32 v2, $0x3;
	s12 =	simm.s32 $0x5800;
	s26 =	simm.s32 $0x13000;
	[dreg:$0x5] =	wrdreg s0  }
0x1a: {  	v0 =	vand.u32 $0x7, v2;
	v2 =	vor.u32 $0x8, v2;
	v1 =	vmul.u32 $0x8, v1;
	s13 =	simm.s32 $0x6000;
	[dreg:$0x12] =	wrdreg s26;
	s26 =	simm.s32 $0xC000  }
.LBB2_1:
0x1b: {  	[tilespmem:s3], [sflag:$0x3] =	stream.linear.gather [hbm4b:s4+s3], $0x1000, $0x38;
	[tilespmem:$0x14000] =	vst v63  }
0x1c: {  	_ =	swait.ge [sflag:s7], $0x1000  }
0x1d: {  	[sflag:s7] =	ssyncset.done $0x0  }
0x1e: {  	s0 =	simm.s32 $0x1000;
	[sflag:s7] =	ssyncadd.s32 $0xFFFFF000  }
0x1f: {  	[tilespmem:s0], [sflag:$0x3] =	stream.linear.gather [hbm4b:s5+s3], $0x1000, $0x38;
	[tilespmem:$0x14000] =	vst v63  }
0x20: {  	_ =	swait.ge [sflag:s7], $0x1000  }
0x21: {  	[sflag:s7] =	ssyncset.done $0x0  }
0x22: {  	s2 =	simm.s32 $0x0;
	[sflag:s7] =	ssyncadd.s32 $0xFFFFF000  }
0x23: {  	v3 =	vld [tilespmem:s2+$0x0]  }
0x24: {  	v4 =	vld [tilespmem:s2+$0x1000];
	_ =	sdelay $0x3  }
0x25: {  	v3 =	vshll.u32 v3, $0x3  }
0x26: {  	s0 =	simm.s32 $0x2020;
	v3 =	vadd.s32 v4, v3  }
0x27: {  	[tilespmem:s0+$0xFFFFFFE0] =	vst v3  }
0x28: {  	v3 =	vld [tilespmem:s2+$0x10]  }
0x29: {  	v61 =	vld [tilespmem:s2+$0x1010];
	_ =	sdelay $0x3  }
0x2a: {  	v3 =	vshll.u32 v3, $0x3  }
0x2b: {  	v3 =	vadd.s32 v61, v3  }
0x2c: {  	[tilespmem:s0+$0xFFFFFFF0] =	vst v3  }
0x2d: {  	v3 =	vld [tilespmem:s2+$0x20]  }
0x2e: {  	v62 =	vld [tilespmem:s2+$0x1020];
	_ =	sdelay $0x3  }
0x2f: {  	v3 =	vshll.u32 v3, $0x3  }
0x30: {  	v3 =	vadd.s32 v62, v3  }
0x31: {  	[tilespmem:s0+$0x0] =	vst v3  }
0x32: {  	v3 =	vld [tilespmem:s2+$0x30]  }
0x33: {  	v63 =	vld [tilespmem:s2+$0x1030];
	_ =	sdelay $0x3  }
0x34: {  	v3 =	vshll.u32 v3, $0x3  }
0x35: {  	v3 =	vadd.s32 v63, v3  }
0x36: {  	s8 =	simm.s32 $0x200;
	s2 =	simm.s32 $0x40;
	[tilespmem:s0+$0x10] =	vst v3  }
.LBB2_2:
0x37: {  	p0 =	sne.s32 s8, $0x3F00;
	v3 =	vld [tilespmem:s2+$0x0]  }
0x38: {  	v4 =	vld [tilespmem:s2+$0x1000];
	_ =	sdelay $0x3  }
0x39: {  	v3 =	vshll.u32 v3, $0x3  }
0x3a: {  	s0 =	sadd.s32 $0x80, s0;
	v3 =	vadd.s32 v4, v3  }
0x3b: {  	[tilespmem:s0+$0xFFFFFFE0] =	vst v3  }
0x3c: {  	v3 =	vld [tilespmem:s2+$0x10]  }
0x3d: {  	v4 =	vld [tilespmem:s2+$0x1010];
	_ =	sdelay $0x3  }
0x3e: {  	v3 =	vshll.u32 v3, $0x3  }
0x3f: {  	v3 =	vadd.s32 v4, v3  }
0x40: {  	[tilespmem:s0+$0xFFFFFFF0] =	vst v3  }
0x41: {  	v3 =	vld [tilespmem:s2+$0x20]  }
0x42: {  	v4 =	vld [tilespmem:s2+$0x1020];
	_ =	sdelay $0x3  }
0x43: {  	v3 =	vshll.u32 v3, $0x3  }
0x44: {  	v3 =	vadd.s32 v4, v3  }
0x45: {  	[tilespmem:s0+$0x0] =	vst v3  }
0x46: {  	v3 =	vld [tilespmem:s2+$0x30]  }
0x47: {  	v4 =	vld [tilespmem:s2+$0x1030];
	_ =	sdelay $0x1  }
.Ltmp0:
0x48: {  	(pc) =	sbr.rel @p0 .LBB2_2-.Ltmp0, $4  }
0x49: {  	_ = 	snop  }
0x4a: {  	v3 =	vshll.u32 v3, $0x3  }
0x4b: {  	v3 =	vadd.s32 v4, v3  }
0x4c: {  	s2 =	sshra.s32 s8, $0x2;
	s8 =	sadd.s32 $0x100, s8;
	[tilespmem:s0+$0x10] =	vst v3  }
0x4d: {  	v3 =	vld [tilespmem:s2+$0x0]  }
0x4e: {  	v4 =	vld [tilespmem:s2+$0x1000];
	_ =	sdelay $0x3  }
0x4f: {  	v3 =	vshll.u32 v3, $0x3  }
0x50: {  	s0 =	sadd.s32 $0x80, s0;
	v3 =	vadd.s32 v4, v3  }
0x51: {  	[tilespmem:s0+$0xFFFFFFE0] =	vst v3  }
0x52: {  	v3 =	vld [tilespmem:s2+$0x10]  }
0x53: {  	v53 =	vld [tilespmem:s2+$0x1010];
	_ =	sdelay $0x3  }
0x54: {  	v3 =	vshll.u32 v3, $0x3  }
0x55: {  	v3 =	vadd.s32 v53, v3  }
0x56: {  	[tilespmem:s0+$0xFFFFFFF0] =	vst v3  }
0x57: {  	v3 =	vld [tilespmem:s2+$0x20]  }
0x58: {  	v54 =	vld [tilespmem:s2+$0x1020];
	_ =	sdelay $0x3  }
0x59: {  	v3 =	vshll.u32 v3, $0x3  }
0x5a: {  	v3 =	vadd.s32 v54, v3  }
0x5b: {  	[tilespmem:s0+$0x0] =	vst v3  }
0x5c: {  	v3 =	vld [tilespmem:s2+$0x30]  }
0x5d: {  	v55 =	vld [tilespmem:s2+$0x1030];
	_ =	sdelay $0x3  }
0x5e: {  	v3 =	vshll.u32 v3, $0x3  }
0x5f: {  	v3 =	vadd.s32 v55, v3  }
0x60: {  	[tilespmem:s0+$0x10] =	vst v3  }
0x61: {  	v3 =	vld [tilespmem:$0x2000];
	_ =	sdelay $0x4  }
0x62: {  	v56 =	vshll.u32 v3, $0x1  }
0x63: {  	v3 =	vand.u32 $0x7, v3;
	v4 =	vand.u32 $0xFFFFFFF0, v56  }
0x64: {  	v3 =	vor.u32 v3, v4  }
0x65: {  	v4 =	vperm.xlane v3, v0;
	_ =	sdelay $0x1  }
0x66: {  	v3 =	vperm.xlane v3, v2;
	v4 =	vadd.s32 v1, v4;
	_ =	sdelay $0x1  }
0x67: {  	v3 =	vadd.s32 v1, v3;
	_ =	sdelay $0x1  }
0x68: {  	s0 =	simm.s32 $0x0  }
0x69: {  	[tilespmem:s9], [sflag:$0x1] =	stream.indirect_vreg.gather [hbm4b:s1+s0], $0x80, v4, vm0, $0xb8;
	[tilespmem:$0x14000] =	vst v63  }
0x6a: {  	s10 =	simm.s32 $0x4800  }
0x6b: {  	[tilespmem:s10], [sflag:$0x1] =	stream.indirect_vreg.gather [hbm4b:s1+s0], $0x80, v3, vm0, $0xb8;
	[tilespmem:$0x14000] =	vst v63  }
0x6c: {  	v3 =	vld [tilespmem:$0x2010];
	_ =	sdelay $0x4  }
0x6d: {  	v57 =	vshll.u32 v3, $0x1  }
0x6e: {  	v3 =	vand.u32 $0x7, v3;
	v4 =	vand.u32 $0xFFFFFFF0, v57  }
0x6f: {  	v3 =	vor.u32 v3, v4  }
0x70: {  	v4 =	vperm.xlane v3, v0;
	_ =	sdelay $0x1  }
0x71: {  	v3 =	vperm.xlane v3, v2;
	v4 =	vadd.s32 v1, v4;
	_ =	sdelay $0x1  }
0x72: {  	v3 =	vadd.s32 v1, v3;
	_ =	sdelay $0x1  }
0x73: {  	s11 =	simm.s32 $0x5000  }
0x74: {  	[tilespmem:s11], [sflag:$0x1] =	stream.indirect_vreg.gather [hbm4b:s1+s0], $0x80, v4, vm0, $0xb8;
	[tilespmem:$0x14000] =	vst v63  }
0x75: {  	_ = 	snop  }
0x76: {  	[tilespmem:s12], [sflag:$0x1] =	stream.indirect_vreg.gather [hbm4b:s1+s0], $0x80, v3, vm0, $0xb8;
	[tilespmem:$0x14000] =	vst v63  }
0x77: {  	v3 =	vld [tilespmem:$0x2020];
	_ =	sdelay $0x4  }
0x78: {  	v58 =	vshll.u32 v3, $0x1  }
0x79: {  	v3 =	vand.u32 $0x7, v3;
	v4 =	vand.u32 $0xFFFFFFF0, v58  }
0x7a: {  	v3 =	vor.u32 v3, v4  }
0x7b: {  	v4 =	vperm.xlane v3, v0;
	_ =	sdelay $0x1  }
0x7c: {  	v3 =	vperm.xlane v3, v2;
	v4 =	vadd.s32 v1, v4;
	_ =	sdelay $0x1  }
0x7d: {  	v3 =	vadd.s32 v1, v3;
	_ =	sdelay $0x2  }
0x7e: {  	[tilespmem:s13], [sflag:$0x1] =	stream.indirect_vreg.gather [hbm4b:s1+s0], $0x80, v4, vm0, $0xb8;
	[tilespmem:$0x14000] =	vst v63  }
0x7f: {  	_ = 	snop  }
0x80: {  	[tilespmem:s14], [sflag:$0x1] =	stream.indirect_vreg.gather [hbm4b:s1+s0], $0x80, v3, vm0, $0xb8;
	[tilespmem:$0x14000] =	vst v63  }
0x81: {  	v3 =	vld [tilespmem:$0x2030];
	_ =	sdelay $0x4  }
0x82: {  	v59 =	vshll.u32 v3, $0x1  }
0x83: {  	v3 =	vand.u32 $0x7, v3;
	v4 =	vand.u32 $0xFFFFFFF0, v59  }
0x84: {  	v3 =	vor.u32 v3, v4  }
0x85: {  	v4 =	vperm.xlane v3, v0;
	_ =	sdelay $0x1  }
0x86: {  	v3 =	vperm.xlane v3, v2;
	v4 =	vadd.s32 v1, v4;
	_ =	sdelay $0x1  }
0x87: {  	v3 =	vadd.s32 v1, v3;
	_ =	sdelay $0x2  }
0x88: {  	[tilespmem:s15], [sflag:$0x1] =	stream.indirect_vreg.gather [hbm4b:s1+s0], $0x80, v4, vm0, $0xb8;
	[tilespmem:$0x14000] =	vst v63  }
0x89: {  	_ = 	snop  }
0x8a: {  	[tilespmem:s16], [sflag:$0x1] =	stream.indirect_vreg.gather [hbm4b:s1+s0], $0x80, v3, vm0, $0xb8;
	[tilespmem:$0x14000] =	vst v63  }
0x8b: {  	v3 =	vld [tilespmem:$0x2080];
	_ =	sdelay $0x4  }
0x8c: {  	v60 =	vshll.u32 v3, $0x1  }
0x8d: {  	v3 =	vand.u32 $0x7, v3;
	v4 =	vand.u32 $0xFFFFFFF0, v60  }
0x8e: {  	v3 =	vor.u32 v3, v4  }
0x8f: {  	v4 =	vperm.xlane v3, v0;
	_ =	sdelay $0x1  }
0x90: {  	v3 =	vperm.xlane v3, v2;
	v4 =	vadd.s32 v1, v4;
	_ =	sdelay $0x1  }
0x91: {  	v3 =	vadd.s32 v1, v3;
	_ =	sdelay $0x2  }
0x92: {  	[tilespmem:s17], [sflag:$0x1] =	stream.indirect_vreg.gather [hbm4b:s1+s0], $0x80, v4, vm0, $0xb8;
	[tilespmem:$0x14000] =	vst v63  }
0x93: {  	_ = 	snop  }
0x94: {  	[tilespmem:s18], [sflag:$0x1] =	stream.indirect_vreg.gather [hbm4b:s1+s0], $0x80, v3, vm0, $0xb8;
	[tilespmem:$0x14000] =	vst v63  }
0x95: {  	v3 =	vld [tilespmem:$0x2090];
	_ =	sdelay $0x4  }
0x96: {  	v61 =	vshll.u32 v3, $0x1  }
0x97: {  	v3 =	vand.u32 $0x7, v3;
	v4 =	vand.u32 $0xFFFFFFF0, v61  }
0x98: {  	v3 =	vor.u32 v3, v4  }
0x99: {  	v4 =	vperm.xlane v3, v0;
	_ =	sdelay $0x1  }
0x9a: {  	v3 =	vperm.xlane v3, v2;
	v4 =	vadd.s32 v1, v4;
	_ =	sdelay $0x1  }
0x9b: {  	v3 =	vadd.s32 v1, v3;
	_ =	sdelay $0x2  }
0x9c: {  	[tilespmem:s19], [sflag:$0x1] =	stream.indirect_vreg.gather [hbm4b:s1+s0], $0x80, v4, vm0, $0xb8;
	[tilespmem:$0x14000] =	vst v63  }
0x9d: {  	_ = 	snop  }
0x9e: {  	[tilespmem:s20], [sflag:$0x1] =	stream.indirect_vreg.gather [hbm4b:s1+s0], $0x80, v3, vm0, $0xb8;
	[tilespmem:$0x14000] =	vst v63  }
0x9f: {  	v3 =	vld [tilespmem:$0x20A0];
	_ =	sdelay $0x4  }
0xa0: {  	v62 =	vshll.u32 v3, $0x1  }
0xa1: {  	v3 =	vand.u32 $0x7, v3;
	v4 =	vand.u32 $0xFFFFFFF0, v62  }
0xa2: {  	v3 =	vor.u32 v3, v4  }
0xa3: {  	v4 =	vperm.xlane v3, v0;
	_ =	sdelay $0x1  }
0xa4: {  	v3 =	vperm.xlane v3, v2;
	v4 =	vadd.s32 v1, v4;
	_ =	sdelay $0x1  }
0xa5: {  	v3 =	vadd.s32 v1, v3;
	_ =	sdelay $0x2  }
0xa6: {  	[tilespmem:s21], [sflag:$0x1] =	stream.indirect_vreg.gather [hbm4b:s1+s0], $0x80, v4, vm0, $0xb8;
	[tilespmem:$0x14000] =	vst v63  }
0xa7: {  	_ = 	snop  }
0xa8: {  	[tilespmem:s22], [sflag:$0x1] =	stream.indirect_vreg.gather [hbm4b:s1+s0], $0x80, v3, vm0, $0xb8;
	[tilespmem:$0x14000] =	vst v63  }
0xa9: {  	v3 =	vld [tilespmem:$0x20B0];
	_ =	sdelay $0x4  }
0xaa: {  	v63 =	vshll.u32 v3, $0x1  }
0xab: {  	v3 =	vand.u32 $0x7, v3;
	v4 =	vand.u32 $0xFFFFFFF0, v63  }
0xac: {  	v3 =	vor.u32 v3, v4  }
0xad: {  	v4 =	vperm.xlane v3, v0;
	_ =	sdelay $0x1  }
0xae: {  	v3 =	vperm.xlane v3, v2;
	v4 =	vadd.s32 v1, v4;
	_ =	sdelay $0x1  }
0xaf: {  	v3 =	vadd.s32 v1, v3;
	_ =	sdelay $0x2  }
0xb0: {  	[tilespmem:s23], [sflag:$0x1] =	stream.indirect_vreg.gather [hbm4b:s1+s0], $0x80, v4, vm0, $0xb8;
	[tilespmem:$0x14000] =	vst v63  }
0xb1: {  	s2 =	simm.s32 $0x2180  }
0xb2: {  	[tilespmem:s24], [sflag:$0x1] =	stream.indirect_vreg.gather [hbm4b:s1+s0], $0x80, v3, vm0, $0xb8;
	[tilespmem:$0x14000] =	vst v63  }
.LBB2_4:
0xb3: {  	_ =	swait.ge [sflag:s25], $0x4000  }
0xb4: {  	p0 =	seq.s32 s0, $0x0;
	[sflag:s25] =	ssyncset.done $0x0  }
0xb5: {  	s10 =	simm.s32 @!p0 $0x2;
	[sflag:s25] =	ssyncadd.s32 $0xFFFFC000  }
0xb6: {  	_ =	swait.ge @!p0 [sflag:s10], $0x4000  }
0xb7: {  	[sflag:s10] =	ssyncset.done @!p0 $0x0  }
0xb8: {  	[sflag:s10] =	ssyncadd.s32 @!p0 $0xFFFFC000  }
0xb9: {  	v3 =	vld [tilespmem:s2+$0xFFFFFF80];
	_ =	sdelay $0x4  }
0xba: {  	v4 =	vshll.u32 v3, $0x1  }
0xbb: {  	v3 =	vand.u32 $0x7, v3;
	v4 =	vand.u32 $0xFFFFFFF0, v4  }
0xbc: {  	v3 =	vor.u32 v3, v4  }
0xbd: {  	v4 =	vperm.xlane v3, v0;
	_ =	sdelay $0x1  }
0xbe: {  	v3 =	vperm.xlane v3, v2;
	v4 =	vadd.s32 v1, v4;
	_ =	sdelay $0x1  }
0xbf: {  	v3 =	vadd.s32 v1, v3;
	_ =	sdelay $0x2  }
0xc0: {  	[tilespmem:s26], [sflag:$0x1] =	stream.indirect_vreg.gather [hbm4b:s1+s3], $0x80, v4, vm0, $0xb8;
	[tilespmem:$0x14000] =	vst v63  }
0xc1: {  	s8 =	rddreg [dreg:$0x6]  }
0xc2: {  	[tilespmem:s8], [sflag:$0x1] =	stream.indirect_vreg.gather [hbm4b:s1+s3], $0x80, v3, vm0, $0xb8;
	[tilespmem:$0x14000] =	vst v63  }
0xc3: {  	v3 =	vld [tilespmem:s2+$0xFFFFFF90];
	_ =	sdelay $0x4  }
0xc4: {  	v57 =	vshll.u32 v3, $0x1  }
0xc5: {  	v3 =	vand.u32 $0x7, v3;
	v4 =	vand.u32 $0xFFFFFFF0, v57  }
0xc6: {  	v3 =	vor.u32 v3, v4  }
0xc7: {  	v4 =	vperm.xlane v3, v0;
	_ =	sdelay $0x1  }
0xc8: {  	v3 =	vperm.xlane v3, v2;
	v4 =	vadd.s32 v1, v4;
	_ =	sdelay $0x1  }
0xc9: {  	v3 =	vadd.s32 v1, v3;
	_ =	sdelay $0x1  }
0xca: {  	s8 =	rddreg [dreg:$0x7]  }
0xcb: {  	[tilespmem:s8], [sflag:$0x1] =	stream.indirect_vreg.gather [hbm4b:s1+s3], $0x80, v4, vm0, $0xb8;
	[tilespmem:$0x14000] =	vst v63  }
0xcc: {  	s11 =	rddreg [dreg:$0x8]  }
0xcd: {  	[tilespmem:s11], [sflag:$0x1] =	stream.indirect_vreg.gather [hbm4b:s1+s3], $0x80, v3, vm0, $0xb8;
	[tilespmem:$0x14000] =	vst v63  }
0xce: {  	v3 =	vld [tilespmem:s2+$0xFFFFFFA0];
	_ =	sdelay $0x4  }
0xcf: {  	v58 =	vshll.u32 v3, $0x1  }
0xd0: {  	v3 =	vand.u32 $0x7, v3;
	v4 =	vand.u32 $0xFFFFFFF0, v58  }
0xd1: {  	v3 =	vor.u32 v3, v4  }
0xd2: {  	v4 =	vperm.xlane v3, v0;
	_ =	sdelay $0x1  }
0xd3: {  	v3 =	vperm.xlane v3, v2;
	v4 =	vadd.s32 v1, v4;
	_ =	sdelay $0x1  }
0xd4: {  	v3 =	vadd.s32 v1, v3;
	_ =	sdelay $0x1  }
0xd5: {  	s8 =	rddreg [dreg:$0x9]  }
0xd6: {  	[tilespmem:s8], [sflag:$0x1] =	stream.indirect_vreg.gather [hbm4b:s1+s3], $0x80, v4, vm0, $0xb8;
	[tilespmem:$0x14000] =	vst v63  }
0xd7: {  	s11 =	rddreg [dreg:$0xa]  }
0xd8: {  	[tilespmem:s11], [sflag:$0x1] =	stream.indirect_vreg.gather [hbm4b:s1+s3], $0x80, v3, vm0, $0xb8;
	[tilespmem:$0x14000] =	vst v63  }
0xd9: {  	v3 =	vld [tilespmem:s2+$0xFFFFFFB0];
	_ =	sdelay $0x4  }
0xda: {  	v59 =	vshll.u32 v3, $0x1  }
0xdb: {  	v3 =	vand.u32 $0x7, v3;
	v4 =	vand.u32 $0xFFFFFFF0, v59  }
0xdc: {  	v3 =	vor.u32 v3, v4  }
0xdd: {  	v4 =	vperm.xlane v3, v0;
	_ =	sdelay $0x1  }
0xde: {  	v3 =	vperm.xlane v3, v2;
	v4 =	vadd.s32 v1, v4;
	_ =	sdelay $0x1  }
0xdf: {  	v3 =	vadd.s32 v1, v3  }
0xe0: {  	s8 =	rddreg [dreg:$0xc]  }
0xe1: {  	s11 =	rddreg [dreg:$0xb]  }
0xe2: {  	[tilespmem:s11], [sflag:$0x1] =	stream.indirect_vreg.gather [hbm4b:s1+s3], $0x80, v4, vm0, $0xb8;
	[tilespmem:$0x14000] =	vst v63  }
0xe3: {  	s11 =	rddreg [dreg:$0x5]  }
0xe4: {  	[tilespmem:s8], [sflag:$0x1] =	stream.indirect_vreg.gather [hbm4b:s1+s3], $0x80, v3, vm0, $0xb8;
	[tilespmem:$0x14000] =	vst v63  }
0xe5: {  	s8 =	sadd.s32 s0, s11  }
0xe6: {  	[hbm4b:s8+s3] =	stream.linear.scatter [tilespmem:s9], [sflag:$0x2], $0x4000, $0x38;
	[tilespmem:$0x14000] =	vst v63  }
0xe7: {  	_ =	swait.ge [sflag:s25], $0x4000  }
0xe8: {  	[sflag:s25] =	ssyncset.done $0x0  }
0xe9: {  	[sflag:s25] =	ssyncadd.s32 $0xFFFFC000  }
0xea: {  	_ =	swait.ge @!p0 [sflag:s10], $0x4000  }
0xeb: {  	[sflag:s10] =	ssyncset.done @!p0 $0x0  }
0xec: {  	[sflag:s10] =	ssyncadd.s32 @!p0 $0xFFFFC000  }
0xed: {  	v3 =	vld [tilespmem:s2+$0x0];
	_ =	sdelay $0x4  }
0xee: {  	v60 =	vshll.u32 v3, $0x1  }
0xef: {  	v3 =	vand.u32 $0x7, v3;
	v4 =	vand.u32 $0xFFFFFFF0, v60  }
0xf0: {  	v3 =	vor.u32 v3, v4  }
0xf1: {  	v4 =	vperm.xlane v3, v0;
	_ =	sdelay $0x1  }
0xf2: {  	v3 =	vperm.xlane v3, v2;
	v4 =	vadd.s32 v1, v4;
	_ =	sdelay $0x1  }
0xf3: {  	v3 =	vadd.s32 v1, v3;
	_ =	sdelay $0x2  }
0xf4: {  	[tilespmem:s28], [sflag:$0x1] =	stream.indirect_vreg.gather [hbm4b:s1+s3], $0x80, v4, vm0, $0xb8;
	[tilespmem:$0x14000] =	vst v63  }
0xf5: {  	s11 =	rddreg [dreg:$0xd]  }
0xf6: {  	[tilespmem:s11], [sflag:$0x1] =	stream.indirect_vreg.gather [hbm4b:s1+s3], $0x80, v3, vm0, $0xb8;
	[tilespmem:$0x14000] =	vst v63  }
0xf7: {  	v3 =	vld [tilespmem:s2+$0x10];
	_ =	sdelay $0x4  }
0xf8: {  	v61 =	vshll.u32 v3, $0x1  }
0xf9: {  	v3 =	vand.u32 $0x7, v3;
	v4 =	vand.u32 $0xFFFFFFF0, v61  }
0xfa: {  	v3 =	vor.u32 v3, v4  }
0xfb: {  	v4 =	vperm.xlane v3, v0;
	_ =	sdelay $0x1  }
0xfc: {  	v3 =	vperm.xlane v3, v2;
	v4 =	vadd.s32 v1, v4;
	_ =	sdelay $0x1  }
0xfd: {  	v3 =	vadd.s32 v1, v3;
	_ =	sdelay $0x1  }
0xfe: {  	s10 =	rddreg [dreg:$0xe]  }
0xff: {  	[tilespmem:s10], [sflag:$0x1] =	stream.indirect_vreg.gather [hbm4b:s1+s3], $0x80, v4, vm0, $0xb8;
	[tilespmem:$0x14000] =	vst v63  }
0x100: {  	s11 =	rddreg [dreg:$0xf]  }
0x101: {  	[tilespmem:s11], [sflag:$0x1] =	stream.indirect_vreg.gather [hbm4b:s1+s3], $0x80, v3, vm0, $0xb8;
	[tilespmem:$0x14000] =	vst v63  }
0x102: {  	v3 =	vld [tilespmem:s2+$0x20];
	_ =	sdelay $0x4  }
0x103: {  	v62 =	vshll.u32 v3, $0x1  }
0x104: {  	v3 =	vand.u32 $0x7, v3;
	v4 =	vand.u32 $0xFFFFFFF0, v62  }
0x105: {  	v3 =	vor.u32 v3, v4  }
0x106: {  	v4 =	vperm.xlane v3, v0;
	_ =	sdelay $0x1  }
0x107: {  	v3 =	vperm.xlane v3, v2;
	v4 =	vadd.s32 v1, v4;
	_ =	sdelay $0x1  }
0x108: {  	v3 =	vadd.s32 v1, v3;
	_ =	sdelay $0x1  }
0x109: {  	s10 =	rddreg [dreg:$0x10]  }
0x10a: {  	[tilespmem:s10], [sflag:$0x1] =	stream.indirect_vreg.gather [hbm4b:s1+s3], $0x80, v4, vm0, $0xb8;
	[tilespmem:$0x14000] =	vst v63  }
0x10b: {  	s11 =	rddreg [dreg:$0x11]  }
0x10c: {  	[tilespmem:s11], [sflag:$0x1] =	stream.indirect_vreg.gather [hbm4b:s1+s3], $0x80, v3, vm0, $0xb8;
	[tilespmem:$0x14000] =	vst v63  }
0x10d: {  	v3 =	vld [tilespmem:s2+$0x30];
	_ =	sdelay $0x4  }
0x10e: {  	v63 =	vshll.u32 v3, $0x1  }
0x10f: {  	v3 =	vand.u32 $0x7, v3;
	v4 =	vand.u32 $0xFFFFFFF0, v63  }
0x110: {  	v3 =	vor.u32 v3, v4  }
0x111: {  	v4 =	vperm.xlane v3, v0;
	_ =	sdelay $0x1  }
0x112: {  	v3 =	vperm.xlane v3, v2;
	v4 =	vadd.s32 v1, v4;
	_ =	sdelay $0x1  }
0x113: {  	v3 =	vadd.s32 v1, v3;
	_ =	sdelay $0x1  }
0x114: {  	s11 =	rddreg [dreg:$0x12]  }
0x115: {  	[tilespmem:s11], [sflag:$0x1] =	stream.indirect_vreg.gather [hbm4b:s1+s3], $0x80, v4, vm0, $0xb8;
	[tilespmem:$0x14000] =	vst v63  }
0x116: {  	_ = 	snop  }
0x117: {  	[tilespmem:s29], [sflag:$0x1] =	stream.indirect_vreg.gather [hbm4b:s1+s3], $0x80, v3, vm0, $0xb8;
	[tilespmem:$0x14000] =	vst v63  }
0x118: {  	s11 =	sadd.s32 $0x800, s8  }
0x119: {  	[hbm4b:s11+s3] =	stream.linear.scatter [tilespmem:s17], [sflag:$0x2], $0x4000, $0x38;
	[tilespmem:$0x14000] =	vst v63  }
0x11a: {  	_ =	swait.ge [sflag:s25], $0x4000  }
0x11b: {  	[sflag:s25] =	ssyncset.done $0x0  }
0x11c: {  	[sflag:s25] =	ssyncadd.s32 $0xFFFFC000  }
0x11d: {  	_ =	swait.ge [sflag:s30], $0x4000  }
0x11e: {  	[sflag:s30] =	ssyncset.done $0x0  }
0x11f: {  	p0 =	seq.s32 s0, $0x1E000;
	[sflag:s30] =	ssyncadd.s32 $0xFFFFC000  }
0x120: {  	v3 =	vld @!p0 [tilespmem:s2+$0x80];
	_ =	sdelay $0x4  }
0x121: {  	v4 =	vshll.u32 @!p0 v3, $0x1  }
0x122: {  	v5 =	vlaneseq.u32 @!p0;
	v3 =	vand.u32 @!p0 $0x7, v3;
	v4 =	vand.u32 @!p0 $0xFFFFFFF0, v4  }
0x123: {  	v6 =	vshrl.u32 @!p0 v5, $0x3;
	v3 =	vor.u32 @!p0 v3, v4;
	v4 =	vand.u32 @!p0 $0x7, v5  }
0x124: {  	v6 =	vmul.u32 @!p0 $0x8, v6;
	v7 =	vperm.xlane @!p0 v3, v4  }
0x125: {  	v5 =	vor.u32 @!p0 $0x8, v5  }
0x126: {  	v3 =	vperm.xlane @!p0 v3, v5;
	v7 =	vadd.s32 @!p0 v6, v7;
	_ =	sdelay $0x1  }
0x127: {  	v3 =	vadd.s32 @!p0 v6, v3;
	_ =	sdelay $0x1  }
0x128: {  	vm1 =	vmmov @!p0 $0xffff;
	s10 =	simm.s32 @!p0 $0x0;
	s11 =	simm.s32 @!p0 $0x4000  }
0x129: {  	[tilespmem:s11], [sflag:$0x1] =	stream.indirect_vreg.gather @!p0 [hbm4b:s1+s10], $0x80, v7, vm1, $0xb8;
	[tilespmem:$0x14000] =	vst v63  }
0x12a: {  	s11 =	simm.s32 @!p0 $0x4800  }
0x12b: {  	[tilespmem:s11], [sflag:$0x1] =	stream.indirect_vreg.gather @!p0 [hbm4b:s1+s10], $0x80, v3, vm1, $0xb8;
	[tilespmem:$0x14000] =	vst v63  }
0x12c: {  	v3 =	vld @!p0 [tilespmem:s2+$0x90];
	_ =	sdelay $0x4  }
0x12d: {  	v7 =	vshll.u32 @!p0 v3, $0x1  }
0x12e: {  	v3 =	vand.u32 @!p0 $0x7, v3;
	v7 =	vand.u32 @!p0 $0xFFFFFFF0, v7  }
0x12f: {  	v3 =	vor.u32 @!p0 v3, v7  }
0x130: {  	v7 =	vperm.xlane @!p0 v3, v4;
	_ =	sdelay $0x1  }
0x131: {  	v3 =	vperm.xlane @!p0 v3, v5;
	v7 =	vadd.s32 @!p0 v6, v7;
	_ =	sdelay $0x1  }
0x132: {  	v3 =	vadd.s32 @!p0 v6, v3;
	_ =	sdelay $0x1  }
0x133: {  	s11 =	simm.s32 @!p0 $0x5000  }
0x134: {  	[tilespmem:s11], [sflag:$0x1] =	stream.indirect_vreg.gather @!p0 [hbm4b:s1+s10], $0x80, v7, vm1, $0xb8;
	[tilespmem:$0x14000] =	vst v63  }
0x135: {  	s11 =	simm.s32 @!p0 $0x5800  }
0x136: {  	[tilespmem:s11], [sflag:$0x1] =	stream.indirect_vreg.gather @!p0 [hbm4b:s1+s10], $0x80, v3, vm1, $0xb8;
	[tilespmem:$0x14000] =	vst v63  }
0x137: {  	v3 =	vld @!p0 [tilespmem:s2+$0xA0];
	_ =	sdelay $0x4  }
0x138: {  	v7 =	vshll.u32 @!p0 v3, $0x1  }
0x139: {  	v3 =	vand.u32 @!p0 $0x7, v3;
	v7 =	vand.u32 @!p0 $0xFFFFFFF0, v7  }
0x13a: {  	v3 =	vor.u32 @!p0 v3, v7  }
0x13b: {  	v7 =	vperm.xlane @!p0 v3, v4;
	_ =	sdelay $0x1  }
0x13c: {  	v3 =	vperm.xlane @!p0 v3, v5;
	v7 =	vadd.s32 @!p0 v6, v7;
	_ =	sdelay $0x1  }
0x13d: {  	v3 =	vadd.s32 @!p0 v6, v3;
	_ =	sdelay $0x1  }
0x13e: {  	s11 =	simm.s32 @!p0 $0x6000  }
0x13f: {  	[tilespmem:s11], [sflag:$0x1] =	stream.indirect_vreg.gather @!p0 [hbm4b:s1+s10], $0x80, v7, vm1, $0xb8;
	[tilespmem:$0x14000] =	vst v63  }
0x140: {  	s11 =	simm.s32 @!p0 $0x6800  }
0x141: {  	[tilespmem:s11], [sflag:$0x1] =	stream.indirect_vreg.gather @!p0 [hbm4b:s1+s10], $0x80, v3, vm1, $0xb8;
	[tilespmem:$0x14000] =	vst v63  }
0x142: {  	v3 =	vld @!p0 [tilespmem:s2+$0xB0];
	_ =	sdelay $0x4  }
0x143: {  	v7 =	vshll.u32 @!p0 v3, $0x1  }
0x144: {  	v3 =	vand.u32 @!p0 $0x7, v3;
	v7 =	vand.u32 @!p0 $0xFFFFFFF0, v7  }
0x145: {  	v3 =	vor.u32 @!p0 v3, v7  }
0x146: {  	v7 =	vperm.xlane @!p0 v3, v4;
	_ =	sdelay $0x1  }
0x147: {  	v3 =	vperm.xlane @!p0 v3, v5;
	v7 =	vadd.s32 @!p0 v6, v7;
	_ =	sdelay $0x1  }
0x148: {  	v3 =	vadd.s32 @!p0 v6, v3;
	_ =	sdelay $0x1  }
0x149: {  	s11 =	simm.s32 @!p0 $0x7000  }
0x14a: {  	[tilespmem:s11], [sflag:$0x1] =	stream.indirect_vreg.gather @!p0 [hbm4b:s1+s10], $0x80, v7, vm1, $0xb8;
	[tilespmem:$0x14000] =	vst v63  }
0x14b: {  	s11 =	simm.s32 @!p0 $0x7800  }
0x14c: {  	[tilespmem:s11], [sflag:$0x1] =	stream.indirect_vreg.gather @!p0 [hbm4b:s1+s10], $0x80, v3, vm1, $0xb8;
	[tilespmem:$0x14000] =	vst v63  }
0x14d: {  	s11 =	sadd.s32 $0x1000, s8  }
0x14e: {  	[hbm4b:s11+s3] =	stream.linear.scatter [tilespmem:s26], [sflag:$0x2], $0x4000, $0x38;
	[tilespmem:$0x14000] =	vst v63  }
0x14f: {  	_ =	swait.ge [sflag:s25], $0x4000  }
0x150: {  	[sflag:s25] =	ssyncset.done $0x0  }
0x151: {  	[sflag:s25] =	ssyncadd.s32 $0xFFFFC000  }
0x152: {  	_ =	swait.ge [sflag:s30], $0x4000  }
0x153: {  	[sflag:s30] =	ssyncset.done $0x0  }
0x154: {  	[sflag:s30] =	ssyncadd.s32 $0xFFFFC000  }
0x155: {  	v3 =	vld @!p0 [tilespmem:s2+$0x100];
	_ =	sdelay $0x4  }
0x156: {  	v7 =	vshll.u32 @!p0 v3, $0x1  }
0x157: {  	v3 =	vand.u32 @!p0 $0x7, v3;
	v7 =	vand.u32 @!p0 $0xFFFFFFF0, v7  }
0x158: {  	v3 =	vor.u32 @!p0 v3, v7  }
0x159: {  	v7 =	vperm.xlane @!p0 v3, v4;
	_ =	sdelay $0x1  }
0x15a: {  	v3 =	vperm.xlane @!p0 v3, v5;
	v7 =	vadd.s32 @!p0 v6, v7;
	_ =	sdelay $0x1  }
0x15b: {  	v3 =	vadd.s32 @!p0 v6, v3;
	_ =	sdelay $0x1  }
0x15c: {  	s11 =	simm.s32 @!p0 $0x8000  }
0x15d: {  	[tilespmem:s11], [sflag:$0x1] =	stream.indirect_vreg.gather @!p0 [hbm4b:s1+s10], $0x80, v7, vm1, $0xb8;
	[tilespmem:$0x14000] =	vst v63  }
0x15e: {  	s11 =	simm.s32 @!p0 $0x8800  }
0x15f: {  	[tilespmem:s11], [sflag:$0x1] =	stream.indirect_vreg.gather @!p0 [hbm4b:s1+s10], $0x80, v3, vm1, $0xb8;
	[tilespmem:$0x14000] =	vst v63  }
0x160: {  	v3 =	vld @!p0 [tilespmem:s2+$0x110];
	_ =	sdelay $0x4  }
0x161: {  	v7 =	vshll.u32 @!p0 v3, $0x1  }
0x162: {  	v3 =	vand.u32 @!p0 $0x7, v3;
	v7 =	vand.u32 @!p0 $0xFFFFFFF0, v7  }
0x163: {  	v3 =	vor.u32 @!p0 v3, v7  }
0x164: {  	v7 =	vperm.xlane @!p0 v3, v4;
	_ =	sdelay $0x1  }
0x165: {  	v3 =	vperm.xlane @!p0 v3, v5;
	v7 =	vadd.s32 @!p0 v6, v7;
	_ =	sdelay $0x1  }
0x166: {  	v3 =	vadd.s32 @!p0 v6, v3;
	_ =	sdelay $0x1  }
0x167: {  	s11 =	simm.s32 @!p0 $0x9000  }
0x168: {  	[tilespmem:s11], [sflag:$0x1] =	stream.indirect_vreg.gather @!p0 [hbm4b:s1+s10], $0x80, v7, vm1, $0xb8;
	[tilespmem:$0x14000] =	vst v63  }
0x169: {  	s11 =	simm.s32 @!p0 $0x9800  }
0x16a: {  	[tilespmem:s11], [sflag:$0x1] =	stream.indirect_vreg.gather @!p0 [hbm4b:s1+s10], $0x80, v3, vm1, $0xb8;
	[tilespmem:$0x14000] =	vst v63  }
0x16b: {  	v3 =	vld @!p0 [tilespmem:s2+$0x120];
	_ =	sdelay $0x4  }
0x16c: {  	v7 =	vshll.u32 @!p0 v3, $0x1  }
0x16d: {  	v3 =	vand.u32 @!p0 $0x7, v3;
	v7 =	vand.u32 @!p0 $0xFFFFFFF0, v7  }
0x16e: {  	v3 =	vor.u32 @!p0 v3, v7  }
0x16f: {  	v7 =	vperm.xlane @!p0 v3, v4;
	_ =	sdelay $0x1  }
0x170: {  	v3 =	vperm.xlane @!p0 v3, v5;
	v7 =	vadd.s32 @!p0 v6, v7;
	_ =	sdelay $0x1  }
0x171: {  	v3 =	vadd.s32 @!p0 v6, v3;
	_ =	sdelay $0x1  }
0x172: {  	s11 =	simm.s32 @!p0 $0xA000  }
0x173: {  	[tilespmem:s11], [sflag:$0x1] =	stream.indirect_vreg.gather @!p0 [hbm4b:s1+s10], $0x80, v7, vm1, $0xb8;
	[tilespmem:$0x14000] =	vst v63  }
0x174: {  	s11 =	simm.s32 @!p0 $0xA800  }
0x175: {  	[tilespmem:s11], [sflag:$0x1] =	stream.indirect_vreg.gather @!p0 [hbm4b:s1+s10], $0x80, v3, vm1, $0xb8;
	[tilespmem:$0x14000] =	vst v63  }
0x176: {  	v3 =	vld @!p0 [tilespmem:s2+$0x130];
	_ =	sdelay $0x4  }
0x177: {  	v7 =	vshll.u32 @!p0 v3, $0x1  }
0x178: {  	v3 =	vand.u32 @!p0 $0x7, v3;
	v7 =	vand.u32 @!p0 $0xFFFFFFF0, v7  }
0x179: {  	v3 =	vor.u32 @!p0 v3, v7  }
0x17a: {  	v4 =	vperm.xlane @!p0 v3, v4;
	_ =	sdelay $0x1  }
0x17b: {  	v3 =	vperm.xlane @!p0 v3, v5;
	v4 =	vadd.s32 @!p0 v6, v4;
	_ =	sdelay $0x1  }
0x17c: {  	v3 =	vadd.s32 @!p0 v6, v3;
	_ =	sdelay $0x1  }
0x17d: {  	s11 =	simm.s32 @!p0 $0xB000  }
0x17e: {  	[tilespmem:s11], [sflag:$0x1] =	stream.indirect_vreg.gather @!p0 [hbm4b:s1+s10], $0x80, v4, vm1, $0xb8;
	[tilespmem:$0x14000] =	vst v63  }
0x17f: {  	s0 =	sadd.s32 $0x2000, s0;
	s11 =	simm.s32 @!p0 $0xB800  }
0x180: {  	[tilespmem:s11], [sflag:$0x1] =	stream.indirect_vreg.gather @!p0 [hbm4b:s1+s10], $0x80, v3, vm1, $0xb8;
	[tilespmem:$0x14000] =	vst v63  }
0x181: {  	p0 =	sne.s32 s0, $0x20000  }
.Ltmp1:
0x182: {  	_ = 	snop;
	(pc) =	sbr.rel @p0 .LBB2_4-.Ltmp1, $3  }
0x183: {  	_ =	sdelay $0x1  }
0x184: {  	s8 =	sadd.s32 $0x1800, s8;
	s2 =	sadd.s32 $0x200, s2  }
0x185: {  	[hbm4b:s8+s3] =	stream.linear.scatter [tilespmem:s28], [sflag:$0x2], $0x4000, $0x38;
	[tilespmem:$0x14000] =	vst v63  }
0x186: {  	s31 =	sadd.s32 $0x1, s31  }
0x187: {  	_ =	swait.ge [sflag:s30], $0x4000;
	p0 =	sne.s32 s31, s6  }
.Ltmp2:
0x188: {  	[sflag:s30] =	ssyncset.done $0x0;
	(pc) =	sbr.rel @p0 .LBB2_1-.Ltmp2, $4  }
0x189: {  	[sflag:s30] =	ssyncadd.s32 $0xFFFFC000  }
0x18a: {  	_ =	swait.ge [sflag:s30], $0x4000  }
0x18b: {  	[sflag:s30] =	ssyncset.done $0x0  }
0x18c: {  	[sflag:s30] =	ssyncadd.s32 $0xFFFFC000  }
0x18d: {  	_ =	sfence.sel $0x180000  }
0x18e: {  	[bflag:$0x0] =	sbarrier.arrive $0xFFFF  }
0x18f: {  	_ =	strace $0x90000047  }
0x190: {  	s0 =	stileid.u32;
	[bflag:$0x2] =	sbarrier.arrive $0xFFFF  }
0x191: {  	p0 =	sne.s32 s0, $0x0;
	s0 =	rddreg [dreg:$0x4]  }
0x192: {  	s0 =	sadd.s32 @!p0 $0x100000, s0  }
0x193: {  	[sflag:s0] =	ssyncadd.tile.s32 @!p0 $0x1;
	_ =	shalt  }
.Lfunc_end2:
_tile_overlayer_lowered:
.L_overlay_start_2:
0x194: {  	(tag) =	ssettag $0x2  }
0x195: {  	s0 =	rddreg [dreg:$0x0];
	s2 =	stileid.u32  }
0x196: {  	s1 =	rddreg [dreg:$0x1];
	p0 =	sne.s32 s2, $0x0  }
0x197: {  	s3 =	rddreg [dreg:$0x2];
	[bflag:$0x3] =	sbarrier.arrive $0xFFFF;
	s2 =	simm.s32 @!p0 $0x1C03  }
0x198: {  	[timem:s3], [sflag:s2] =	dma.local @!p0 [hbm:s0], s1  }
0x199: {  	s0 =	simm.s32 @!p0 $0x3  }
0x19a: {  	_ =	swait.ge @!p0 [sflag:s0], s1  }
0x19b: {  	s1 =	ssub.s32 @!p0 $0x0, s1;
	[sflag:s0] =	ssyncset.done @!p0 $0x0  }
0x19c: {  	[sflag:s0] =	ssyncadd.s32 @!p0 s1  }
0x19d: {  	[bflag:$0x3] =	sbarrier.arrive $0xFFFF  }
0x19e: {  	_ =	shalt  }

</sc_bundles>
